<compile_context>
chip_gen: v7x
topology: tpu7x:2x2x1
jax: 0.10.2.dev20260603
libtpu: 0.0.44.dev20260713+nightly
codegen_flags: <defaults>
</compile_context>

<pallas_src>
import functools

import jax
import jax.numpy as jnp
from jax import lax
from jax.experimental import pallas as pl
from jax.experimental.pallas import tpu as pltpu
from jax.experimental.pallas import tpu_sc as plsc

NC = 2
NS = 16
NW = NC * NS
BSZ = 128
HW = 16


def _mesh():
    return plsc.VectorSubcoreMesh(core_axis_name="c", subcore_axis_name="s")


def _make_hist(n_pad, nb):
    rows = n_pad // NS

    @functools.partial(
        pl.kernel,
        out_type=jax.ShapeDtypeStruct((NC, n_pad, HW), jnp.float32),
        mesh=_mesh(),
        compiler_params=pltpu.CompilerParams(use_tc_tiling_on_sc=False),
        scratch_types=[
            pltpu.VMEM((nb, BSZ), jnp.int32),
            pltpu.VMEM((BSZ, HW), jnp.float32),
            pltpu.VMEM_SHARED((n_pad, HW), jnp.float32),
        ],
    )
    def hist(dst_hbm, ones_hbm, z_hbm, out_hbm, dst_v, ones_v, acc_s):
        c = lax.axis_index("c")
        s = lax.axis_index("s")
        wid = s * NC + c
        pltpu.sync_copy(dst_hbm.at[wid], dst_v)
        pltpu.sync_copy(ones_hbm, ones_v)
        base = s * rows
        pltpu.sync_copy(z_hbm.at[pl.ds(base, rows)], acc_s.at[pl.ds(base, rows)])
        plsc.subcore_barrier()

        def body(j, carry):
            pltpu.sync_copy(ones_v, acc_s.at[dst_v.at[j]], add=True)
            return carry

        lax.fori_loop(0, nb, body, 0)
        plsc.subcore_barrier()
        pltpu.sync_copy(acc_s.at[pl.ds(base, rows)], out_hbm.at[c, pl.ds(base, rows)])

    return hist


K = 2


def _make_prop(n_pad, d, nb):
    rows = n_pad // NS
    assert nb % 2 == 0

    @functools.partial(
        pl.kernel,
        out_type=jax.ShapeDtypeStruct((NC, n_pad, d), jnp.float32),
        mesh=_mesh(),
        compiler_params=pltpu.CompilerParams(use_tc_tiling_on_sc=False),
        scratch_types=[
            pltpu.VMEM((nb, BSZ), jnp.int32),
            pltpu.VMEM((nb, BSZ), jnp.int32),
            pltpu.VMEM((BSZ, d), jnp.float32),
            pltpu.VMEM((BSZ, d), jnp.float32),
            pltpu.VMEM_SHARED((n_pad, d), jnp.float32),
            pltpu.VMEM_SHARED((n_pad, d), jnp.float32),
            pltpu.SemaphoreType.DMA,
        ],
    )
    def prop(h_hbm, src_hbm, dst_hbm, z_hbm, out_hbm, src_v, dst_v, rows_a,
             rows_b, acc_s, tab_s, gsem):
        c = lax.axis_index("c")
        s = lax.axis_index("s")
        wid = s * NC + c
        pltpu.sync_copy(src_hbm.at[wid], src_v)
        pltpu.sync_copy(dst_hbm.at[wid], dst_v)
        base = s * rows
        pltpu.sync_copy(z_hbm.at[pl.ds(base, rows)], acc_s.at[pl.ds(base, rows)])
        pltpu.sync_copy(h_hbm.at[pl.ds(base, rows)], tab_s.at[pl.ds(base, rows)])
        plsc.subcore_barrier()

        def body(i, carry):
            j0 = 2 * i
            j1 = j0 + 1
            pltpu.sync_copy(tab_s.at[src_v.at[j0]], rows_a)
            h = pltpu.async_copy(tab_s.at[src_v.at[j1]], rows_b, gsem)
            pltpu.sync_copy(rows_a, acc_s.at[dst_v.at[j0]], add=True)
            h.wait()
            pltpu.sync_copy(rows_b, acc_s.at[dst_v.at[j1]], add=True)
            return carry

        lax.fori_loop(0, nb // 2, body, 0)
        plsc.subcore_barrier()
        pltpu.sync_copy(acc_s.at[pl.ds(base, rows)], out_hbm.at[c, pl.ds(base, rows)])

    return prop


def _tc_proj_scale(hp, x, w):
    def body(hp_ref, x_ref, w_ref, dinv_ref, h1p_ref):
        deg = hp_ref[0, :, 0] + hp_ref[1, :, 0] + 1.0
        dinv = lax.rsqrt(deg)
        dinv_ref[...] = dinv[:, None]
        h = jnp.dot(x_ref[...], w_ref[...], preferred_element_type=jnp.float32)
        h1p_ref[...] = h * dinv[:, None]

    n = x.shape[0]
    return pl.pallas_call(
        body,
        out_shape=(
            jax.ShapeDtypeStruct((n, 1), jnp.float32),
            jax.ShapeDtypeStruct((n, w.shape[1]), jnp.float32),
        ),
    )(hp, x, w)


def _tc_stage2(p, hprev, dinv, b, w):
    def body(p_ref, hp_ref, dinv_ref, b_ref, w_ref, o_ref):
        dv = dinv_ref[...]
        tot = (p_ref[0] + p_ref[1] + hp_ref[...]) * dv + b_ref[...]
        hact = jnp.maximum(tot, 0.0)
        o_ref[...] = jnp.dot(hact, w_ref[...],
                             preferred_element_type=jnp.float32) * dv

    n = hprev.shape[0]
    return pl.pallas_call(
        body,
        out_shape=jax.ShapeDtypeStruct((n, w.shape[1]), jnp.float32),
    )(p, hprev, dinv, b.reshape(1, -1), w)


def _tc_stage3(p, hprev, dinv, b, w, bo):
    def body(p_ref, hp_ref, dinv_ref, b_ref, w_ref, bo_ref, o_ref):
        dv = dinv_ref[...]
        tot = (p_ref[0] + p_ref[1] + hp_ref[...]) * dv + b_ref[...]
        hact = jnp.maximum(tot, 0.0)
        o_ref[...] = jnp.dot(hact, w_ref[...],
                             preferred_element_type=jnp.float32) + bo_ref[...]

    n = hprev.shape[0]
    return pl.pallas_call(
        body,
        out_shape=jax.ShapeDtypeStruct((n, w.shape[1]), jnp.float32),
    )(p, hprev, dinv, b.reshape(1, -1), w, bo.reshape(1, -1))


def kernel(x, edge_index, W1, b1, W2, b2, W_out, b_out):
    n, d_in = x.shape
    e = edge_index.shape[1]
    n_pad = ((n + NS * 8 - 1) // (NS * 8)) * (NS * 8)
    nb = (e + NW * BSZ - 1) // (NW * BSZ)
    nb = ((nb + K - 1) // K) * K
    e_pad = NW * BSZ * nb

    xp = jnp.pad(x, ((0, n_pad - n), (0, 0)))
    src = jnp.concatenate(
        [edge_index[0], jnp.zeros((e_pad - e,), jnp.int32)]).reshape(NW, nb, BSZ)
    dst = jnp.concatenate(
        [edge_index[1], jnp.full((e_pad - e,), n, jnp.int32)]).reshape(NW, nb, BSZ)

    ones_hw = jnp.ones((BSZ, HW), jnp.float32)
    z_hw = jnp.zeros((n_pad, HW), jnp.float32)
    z1 = jnp.zeros((n_pad, W1.shape[1]), jnp.float32)
    z2 = jnp.zeros((n_pad, W2.shape[1]), jnp.float32)

    hp = _make_hist(n_pad, nb)(dst, ones_hw, z_hw)
    dinv, h1p = _tc_proj_scale(hp, xp, W1)
    p1 = _make_prop(n_pad, W1.shape[1], nb)(h1p, src, dst, z1)
    h2p = _tc_stage2(p1, h1p, dinv, b1, W2)
    p2 = _make_prop(n_pad, W2.shape[1], nb)(h2p, src, dst, z2)
    out = _tc_stage3(p2, h2p, dinv, b2, W_out, b_out)
    return out[:n]

# --- scband reference (transcript-rebuilt; emitter-appended) ---
"""Pipeline reference for scband-simple-gcn-10660108829072 (READ-ONLY COPY).

The authoritative reference and input builder live on the scoring server;
editing this copy changes nothing except your own understanding.
"""

import jax, jax.numpy as jnp
import numpy as np

N = 10000
E = 320000
D_IN = 128
H1 = 64
H2 = 32
N_CLASSES = 1


def setup_inputs(seed: int = 0) -> dict:
    key = jax.random.key(seed)
    ks = jax.random.split(key, 8)
    x = jax.random.normal(ks[0], (N, D_IN), dtype=jnp.float32)
    edge_index = jax.random.randint(ks[1], (2, E), 0, N, dtype=jnp.int32)
    W1 = jax.random.normal(ks[2], (D_IN, H1), dtype=jnp.float32) * (1.0 / np.sqrt(D_IN))
    b1 = jnp.zeros((H1,), dtype=jnp.float32)
    W2 = jax.random.normal(ks[3], (H1, H2), dtype=jnp.float32) * (1.0 / np.sqrt(H1))
    b2 = jnp.zeros((H2,), dtype=jnp.float32)
    W_out = jax.random.normal(ks[4], (H2, N_CLASSES), dtype=jnp.float32) * (1.0 / np.sqrt(H2))
    b_out = jnp.zeros((N_CLASSES,), dtype=jnp.float32)
    return {"x": x, "edge_index": edge_index, "W1": W1, "b1": b1, "W2": W2, "b2": b2, "W_out": W_out, "b_out": b_out}


def _gcn_conv(x, edge_index, W, b):
    # PyG-style GCNConv: x' = D^{-1/2} (A + I) D^{-1/2} (x W) + b
    n = x.shape[0]
    ar = jnp.arange(n, dtype=edge_index.dtype)
    src = jnp.concatenate([edge_index[0], ar])
    dst = jnp.concatenate([edge_index[1], ar])
    deg = jax.ops.segment_sum(jnp.ones_like(src, dtype=x.dtype), dst, num_segments=n)
    dinv = jnp.where(deg > 0, jax.lax.rsqrt(jnp.maximum(deg, 1e-12)), 0.0)
    norm = dinv[src] * dinv[dst]
    h = x @ W
    msg = jnp.take(h, src, axis=0) * norm[:, None]
    out = jax.ops.segment_sum(msg, dst, num_segments=n)
    return out + b


def reference(x, edge_index, W1, b1, W2, b2, W_out, b_out):
    h = _gcn_conv(x, edge_index, W1, b1)
    h = jax.nn.relu(h)
    # dropout p=0.2 is identity in eval mode
    h = _gcn_conv(h, edge_index, W2, b2)
    h = jax.nn.relu(h)
    out = h @ W_out + b_out
    return out

if __name__ == "__main__":
    import jax
    _d = setup_inputs()
    print(jax.jit(kernel)(*tuple(_d.values())))

</pallas_src>

<mosaic_0001>
#map = affine_map<(d0, d1) -> (0, 0, 0)>
#map1 = affine_map<(d0, d1) -> (0, 0)>
module attributes {stable_mosaic.version = 14 : i64} {
  func.func @hist(%arg0: i32, %arg1: i32, %arg2: memref<32x80x128xi32, #tpu.memory_space<hbm>>, %arg3: memref<128x16xf32, #tpu.memory_space<hbm>>, %arg4: memref<10112x16xf32, #tpu.memory_space<hbm>>, %arg5: memref<2x10112x16xf32, #tpu.memory_space<hbm>>, %arg6: memref<80x128xi32, #tpu.memory_space<vmem>>, %arg7: memref<128x16xf32, #tpu.memory_space<vmem>>, %arg8: memref<10112x16xf32, #tpu.memory_space<vmem_shared>>) attributes {dimension_semantics = [#tpu.dimension_semantics<core_parallel>, #tpu.dimension_semantics<subcore_parallel>], iteration_bounds = array<i64: 2, 16>, scalar_prefetch = 0 : i64, scratch_operands = 3 : i64, tpu.core_type = #tpu.core_type<sc_vector_subcore>, window_params = [{transform_indices = #map}, {transform_indices = #map1}, {transform_indices = #map1}, {transform_indices = #map}]} {
    %mul3A = arith.constant 2 : i32
    %mul3A_0 = arith.muli %arg1, %mul3A : i32
    %add3A = arith.addi %mul3A_0, %arg0 : i32
    "tpu.region"() ({
      %run_scoped3A = tpu.sem_alloc : memref<!tpu.dma_semaphore, #tpu.memory_space<semaphore_mem>>
      %dma_start3A = arith.constant 0 : i32
      %dma_start3A_9 = arith.constant 0 : i32
      %dma_start3A_10 = tpu.memref_slice %arg2[%add3A, %dma_start3A, %dma_start3A_9] : memref<32x80x128xi32, #tpu.memory_space<hbm>> -> memref<1x80x128xi32, #tpu.memory_space<hbm>>
      %dma_start3A_11 = tpu.memref_squeeze %dma_start3A_10 : memref<1x80x128xi32, #tpu.memory_space<hbm>> -> memref<80x128xi32, #tpu.memory_space<hbm>>
      %dma_start3A_12 = arith.constant 0 : i32
      %dma_start3A_13 = arith.constant 0 : i32
      %dma_start3A_14 = tpu.memref_slice %arg2[%add3A, %dma_start3A_12, %dma_start3A_13] : memref<32x80x128xi32, #tpu.memory_space<hbm>> -> memref<1x80x128xi32, #tpu.memory_space<hbm>>
      %dma_start3A_15 = tpu.memref_squeeze %dma_start3A_14 : memref<1x80x128xi32, #tpu.memory_space<hbm>> -> memref<80x128xi32, #tpu.memory_space<hbm>>
      tpu.enqueue_dma source(%dma_start3A_15 : memref<80x128xi32, #tpu.memory_space<hbm>>) target(%arg6 : memref<80x128xi32, #tpu.memory_space<vmem>>) target_semaphore(%run_scoped3A : memref<!tpu.dma_semaphore, #tpu.memory_space<semaphore_mem>>)
      %dma_wait3A = arith.constant 0 : i32
      %dma_wait3A_16 = arith.constant 0 : i32
      %dma_wait3A_17 = tpu.memref_slice %arg2[%add3A, %dma_wait3A, %dma_wait3A_16] : memref<32x80x128xi32, #tpu.memory_space<hbm>> -> memref<1x80x128xi32, #tpu.memory_space<hbm>>
      %dma_wait3A_18 = tpu.memref_squeeze %dma_wait3A_17 : memref<1x80x128xi32, #tpu.memory_space<hbm>> -> memref<80x128xi32, #tpu.memory_space<hbm>>
      %dma_wait3A_19 = arith.constant 0 : i32
      %dma_wait3A_20 = arith.constant 0 : i32
      %dma_wait3A_21 = tpu.memref_slice %arg2[%add3A, %dma_wait3A_19, %dma_wait3A_20] : memref<32x80x128xi32, #tpu.memory_space<hbm>> -> memref<1x80x128xi32, #tpu.memory_space<hbm>>
      %dma_wait3A_22 = tpu.memref_squeeze %dma_wait3A_21 : memref<1x80x128xi32, #tpu.memory_space<hbm>> -> memref<80x128xi32, #tpu.memory_space<hbm>>
      tpu.wait_dma2 semaphore(%run_scoped3A : memref<!tpu.dma_semaphore, #tpu.memory_space<semaphore_mem>>) src(%dma_wait3A_22 : memref<80x128xi32, #tpu.memory_space<hbm>>) dst(%arg6 : memref<80x128xi32, #tpu.memory_space<vmem>>)
      tpu.yield
    }) : () -> ()
    "tpu.region"() ({
      %run_scoped3A = tpu.sem_alloc : memref<!tpu.dma_semaphore, #tpu.memory_space<semaphore_mem>>
      tpu.enqueue_dma source(%arg3 : memref<128x16xf32, #tpu.memory_space<hbm>>) target(%arg7 : memref<128x16xf32, #tpu.memory_space<vmem>>) target_semaphore(%run_scoped3A : memref<!tpu.dma_semaphore, #tpu.memory_space<semaphore_mem>>)
      tpu.wait_dma2 semaphore(%run_scoped3A : memref<!tpu.dma_semaphore, #tpu.memory_space<semaphore_mem>>) src(%arg3 : memref<128x16xf32, #tpu.memory_space<hbm>>) dst(%arg7 : memref<128x16xf32, #tpu.memory_space<vmem>>)
      tpu.yield
    }) : () -> ()
    %mul3A_1 = arith.constant 632 : i32
    %mul3A_2 = arith.muli %arg1, %mul3A_1 : i32
    "tpu.region"() ({
      %run_scoped3A = tpu.sem_alloc : memref<!tpu.dma_semaphore, #tpu.memory_space<semaphore_mem>>
      %dma_start3A = arith.constant 0 : i32
      %dma_start3A_9 = tpu.memref_slice %arg8[%mul3A_2, %dma_start3A] : memref<10112x16xf32, #tpu.memory_space<vmem_shared>> -> memref<632x16xf32, #tpu.memory_space<vmem_shared>>
      %dma_start3A_10 = arith.constant 0 : i32
      %dma_start3A_11 = tpu.memref_slice %arg4[%mul3A_2, %dma_start3A_10] : memref<10112x16xf32, #tpu.memory_space<hbm>> -> memref<632x16xf32, #tpu.memory_space<hbm>>
      tpu.enqueue_dma source(%dma_start3A_11 : memref<632x16xf32, #tpu.memory_space<hbm>>) target(%dma_start3A_9 : memref<632x16xf32, #tpu.memory_space<vmem_shared>>) target_semaphore(%run_scoped3A : memref<!tpu.dma_semaphore, #tpu.memory_space<semaphore_mem>>)
      %dma_wait3A = arith.constant 0 : i32
      %dma_wait3A_12 = tpu.memref_slice %arg8[%mul3A_2, %dma_wait3A] : memref<10112x16xf32, #tpu.memory_space<vmem_shared>> -> memref<632x16xf32, #tpu.memory_space<vmem_shared>>
      %dma_wait3A_13 = arith.constant 0 : i32
      %dma_wait3A_14 = tpu.memref_slice %arg4[%mul3A_2, %dma_wait3A_13] : memref<10112x16xf32, #tpu.memory_space<hbm>> -> memref<632x16xf32, #tpu.memory_space<hbm>>
      tpu.wait_dma2 semaphore(%run_scoped3A : memref<!tpu.dma_semaphore, #tpu.memory_space<semaphore_mem>>) src(%dma_wait3A_14 : memref<632x16xf32, #tpu.memory_space<hbm>>) dst(%dma_wait3A_12 : memref<632x16xf32, #tpu.memory_space<vmem_shared>>)
      tpu.yield
    }) : () -> ()
    %barrier3A = arith.constant 0 : index
    tpu.barrier barrier_id(%barrier3A)
    %scan3A = arith.constant 0 : i32
    %scan3A_3 = arith.constant 0 : i32
    %scan3A_4 = arith.constant 80 : i32
    %scan3A_5 = arith.addi %scan3A_3, %scan3A_4 : i32
    %scan3A_6 = arith.constant 1 : i32
    scf.for %scan3A_9 = %scan3A_3 to %scan3A_5 step %scan3A_6  : i32 {
      "tpu.region"() ({
        %run_scoped3A = tpu.sem_alloc : memref<!tpu.dma_semaphore, #tpu.memory_space<semaphore_mem>>
        %dma_start3A = arith.constant 0 : i32
        %dma_start3A_10 = tpu.memref_slice %arg6[%scan3A_9, %dma_start3A] : memref<80x128xi32, #tpu.memory_space<vmem>> -> memref<1x128xi32, #tpu.memory_space<vmem>>
        %dma_start3A_11 = tpu.memref_squeeze %dma_start3A_10 : memref<1x128xi32, #tpu.memory_space<vmem>> -> memref<128xi32, #tpu.memory_space<vmem>>
        %dma_start3A_12 = arith.constant 0 : i32
        %dma_start3A_13 = arith.constant 0 : i32
        %dma_start3A_14 = tpu.memref_slice %arg8[%dma_start3A_12, %dma_start3A_13] : memref<10112x16xf32, #tpu.memory_space<vmem_shared>> -> memref<10112x16xf32, #tpu.memory_space<vmem_shared>>
        tpu.enqueue_indirect_dma source(%arg7 : memref<128x16xf32, #tpu.memory_space<vmem>>) target(%dma_start3A_14 : memref<10112x16xf32, #tpu.memory_space<vmem_shared>>) offsets(%dma_start3A_11 : memref<128xi32, #tpu.memory_space<vmem>>) semaphore(%run_scoped3A : memref<!tpu.dma_semaphore, #tpu.memory_space<semaphore_mem>>) {add = true}
        %dma_wait3A = arith.constant 0 : i32
        %dma_wait3A_15 = tpu.memref_slice %arg6[%scan3A_9, %dma_wait3A] : memref<80x128xi32, #tpu.memory_space<vmem>> -> memref<1x128xi32, #tpu.memory_space<vmem>>
        %dma_wait3A_16 = tpu.memref_squeeze %dma_wait3A_15 : memref<1x128xi32, #tpu.memory_space<vmem>> -> memref<128xi32, #tpu.memory_space<vmem>>
        %dma_wait3A_17 = arith.constant 0 : i32
        %dma_wait3A_18 = arith.constant 0 : i32
        %dma_wait3A_19 = tpu.memref_slice %arg8[%dma_wait3A_17, %dma_wait3A_18] : memref<10112x16xf32, #tpu.memory_space<vmem_shared>> -> memref<10112x16xf32, #tpu.memory_space<vmem_shared>>
        tpu.wait_indirect_dma semaphore(%run_scoped3A : memref<!tpu.dma_semaphore, #tpu.memory_space<semaphore_mem>>) src(%arg7 : memref<128x16xf32, #tpu.memory_space<vmem>>) dst(%dma_wait3A_19 : memref<10112x16xf32, #tpu.memory_space<vmem_shared>>)
        tpu.yield
      }) : () -> ()
    }
    %scan3A_7 = arith.constant 80 : i32
    %barrier3A_8 = arith.constant 0 : index
    tpu.barrier barrier_id(%barrier3A_8)
    "tpu.region"() ({
      %run_scoped3A = tpu.sem_alloc : memref<!tpu.dma_semaphore, #tpu.memory_space<semaphore_mem>>
      %dma_start3A = arith.constant 0 : i32
      %dma_start3A_9 = tpu.memref_slice %arg5[%arg0, %mul3A_2, %dma_start3A] : memref<2x10112x16xf32, #tpu.memory_space<hbm>> -> memref<1x632x16xf32, #tpu.memory_space<hbm>>
      %dma_start3A_10 = tpu.memref_squeeze %dma_start3A_9 : memref<1x632x16xf32, #tpu.memory_space<hbm>> -> memref<632x16xf32, #tpu.memory_space<hbm>>
      %dma_start3A_11 = arith.constant 0 : i32
      %dma_start3A_12 = tpu.memref_slice %arg8[%mul3A_2, %dma_start3A_11] : memref<10112x16xf32, #tpu.memory_space<vmem_shared>> -> memref<632x16xf32, #tpu.memory_space<vmem_shared>>
      tpu.enqueue_dma source(%dma_start3A_12 : memref<632x16xf32, #tpu.memory_space<vmem_shared>>) target(%dma_start3A_10 : memref<632x16xf32, #tpu.memory_space<hbm>>) target_semaphore(%run_scoped3A : memref<!tpu.dma_semaphore, #tpu.memory_space<semaphore_mem>>)
      %dma_wait3A = arith.constant 0 : i32
      %dma_wait3A_13 = tpu.memref_slice %arg5[%arg0, %mul3A_2, %dma_wait3A] : memref<2x10112x16xf32, #tpu.memory_space<hbm>> -> memref<1x632x16xf32, #tpu.memory_space<hbm>>
      %dma_wait3A_14 = tpu.memref_squeeze %dma_wait3A_13 : memref<1x632x16xf32, #tpu.memory_space<hbm>> -> memref<632x16xf32, #tpu.memory_space<hbm>>
      %dma_wait3A_15 = arith.constant 0 : i32
      %dma_wait3A_16 = tpu.memref_slice %arg8[%mul3A_2, %dma_wait3A_15] : memref<10112x16xf32, #tpu.memory_space<vmem_shared>> -> memref<632x16xf32, #tpu.memory_space<vmem_shared>>
      tpu.wait_dma2 semaphore(%run_scoped3A : memref<!tpu.dma_semaphore, #tpu.memory_space<semaphore_mem>>) src(%dma_wait3A_16 : memref<632x16xf32, #tpu.memory_space<vmem_shared>>) dst(%dma_wait3A_14 : memref<632x16xf32, #tpu.memory_space<hbm>>)
      tpu.yield
    }) : () -> ()
    return
  }
}

#map = affine_map<(d0, d1) -> (0, 0)>
#map1 = affine_map<(d0, d1) -> (0, 0, 0)>
module attributes {stable_mosaic.version = 14 : i64} {
  func.func @prop(%arg0: i32, %arg1: i32, %arg2: memref<10112x64xf32, #tpu.memory_space<hbm>>, %arg3: memref<32x80x128xi32, #tpu.memory_space<hbm>>, %arg4: memref<32x80x128xi32, #tpu.memory_space<hbm>>, %arg5: memref<10112x64xf32, #tpu.memory_space<hbm>>, %arg6: memref<2x10112x64xf32, #tpu.memory_space<hbm>>, %arg7: memref<80x128xi32, #tpu.memory_space<vmem>>, %arg8: memref<80x128xi32, #tpu.memory_space<vmem>>, %arg9: memref<128x64xf32, #tpu.memory_space<vmem>>, %arg10: memref<128x64xf32, #tpu.memory_space<vmem>>, %arg11: memref<10112x64xf32, #tpu.memory_space<vmem_shared>>, %arg12: memref<10112x64xf32, #tpu.memory_space<vmem_shared>>, %arg13: memref<!tpu.dma_semaphore, #tpu.memory_space<semaphore_mem>>) attributes {dimension_semantics = [#tpu.dimension_semantics<core_parallel>, #tpu.dimension_semantics<subcore_parallel>], iteration_bounds = array<i64: 2, 16>, scalar_prefetch = 0 : i64, scratch_operands = 7 : i64, tpu.core_type = #tpu.core_type<sc_vector_subcore>, window_params = [{transform_indices = #map}, {transform_indices = #map1}, {transform_indices = #map1}, {transform_indices = #map}, {transform_indices = #map1}]} {
    %mul3A = arith.constant 2 : i32
    %mul3A_0 = arith.muli %arg1, %mul3A : i32
    %add3A = arith.addi %mul3A_0, %arg0 : i32
    "tpu.region"() ({
      %run_scoped3A = tpu.sem_alloc : memref<!tpu.dma_semaphore, #tpu.memory_space<semaphore_mem>>
      %dma_start3A = arith.constant 0 : i32
      %dma_start3A_9 = arith.constant 0 : i32
      %dma_start3A_10 = tpu.memref_slice %arg3[%add3A, %dma_start3A, %dma_start3A_9] : memref<32x80x128xi32, #tpu.memory_space<hbm>> -> memref<1x80x128xi32, #tpu.memory_space<hbm>>
      %dma_start3A_11 = tpu.memref_squeeze %dma_start3A_10 : memref<1x80x128xi32, #tpu.memory_space<hbm>> -> memref<80x128xi32, #tpu.memory_space<hbm>>
      %dma_start3A_12 = arith.constant 0 : i32
      %dma_start3A_13 = arith.constant 0 : i32
      %dma_start3A_14 = tpu.memref_slice %arg3[%add3A, %dma_start3A_12, %dma_start3A_13] : memref<32x80x128xi32, #tpu.memory_space<hbm>> -> memref<1x80x128xi32, #tpu.memory_space<hbm>>
      %dma_start3A_15 = tpu.memref_squeeze %dma_start3A_14 : memref<1x80x128xi32, #tpu.memory_space<hbm>> -> memref<80x128xi32, #tpu.memory_space<hbm>>
      tpu.enqueue_dma source(%dma_start3A_15 : memref<80x128xi32, #tpu.memory_space<hbm>>) target(%arg7 : memref<80x128xi32, #tpu.memory_space<vmem>>) target_semaphore(%run_scoped3A : memref<!tpu.dma_semaphore, #tpu.memory_space<semaphore_mem>>)
      %dma_wait3A = arith.constant 0 : i32
      %dma_wait3A_16 = arith.constant 0 : i32
      %dma_wait3A_17 = tpu.memref_slice %arg3[%add3A, %dma_wait3A, %dma_wait3A_16] : memref<32x80x128xi32, #tpu.memory_space<hbm>> -> memref<1x80x128xi32, #tpu.memory_space<hbm>>
      %dma_wait3A_18 = tpu.memref_squeeze %dma_wait3A_17 : memref<1x80x128xi32, #tpu.memory_space<hbm>> -> memref<80x128xi32, #tpu.memory_space<hbm>>
      %dma_wait3A_19 = arith.constant 0 : i32
      %dma_wait3A_20 = arith.constant 0 : i32
      %dma_wait3A_21 = tpu.memref_slice %arg3[%add3A, %dma_wait3A_19, %dma_wait3A_20] : memref<32x80x128xi32, #tpu.memory_space<hbm>> -> memref<1x80x128xi32, #tpu.memory_space<hbm>>
      %dma_wait3A_22 = tpu.memref_squeeze %dma_wait3A_21 : memref<1x80x128xi32, #tpu.memory_space<hbm>> -> memref<80x128xi32, #tpu.memory_space<hbm>>
      tpu.wait_dma2 semaphore(%run_scoped3A : memref<!tpu.dma_semaphore, #tpu.memory_space<semaphore_mem>>) src(%dma_wait3A_22 : memref<80x128xi32, #tpu.memory_space<hbm>>) dst(%arg7 : memref<80x128xi32, #tpu.memory_space<vmem>>)
      tpu.yield
    }) : () -> ()
    "tpu.region"() ({
      %run_scoped3A = tpu.sem_alloc : memref<!tpu.dma_semaphore, #tpu.memory_space<semaphore_mem>>
      %dma_start3A = arith.constant 0 : i32
      %dma_start3A_9 = arith.constant 0 : i32
      %dma_start3A_10 = tpu.memref_slice %arg4[%add3A, %dma_start3A, %dma_start3A_9] : memref<32x80x128xi32, #tpu.memory_space<hbm>> -> memref<1x80x128xi32, #tpu.memory_space<hbm>>
      %dma_start3A_11 = tpu.memref_squeeze %dma_start3A_10 : memref<1x80x128xi32, #tpu.memory_space<hbm>> -> memref<80x128xi32, #tpu.memory_space<hbm>>
      %dma_start3A_12 = arith.constant 0 : i32
      %dma_start3A_13 = arith.constant 0 : i32
      %dma_start3A_14 = tpu.memref_slice %arg4[%add3A, %dma_start3A_12, %dma_start3A_13] : memref<32x80x128xi32, #tpu.memory_space<hbm>> -> memref<1x80x128xi32, #tpu.memory_space<hbm>>
      %dma_start3A_15 = tpu.memref_squeeze %dma_start3A_14 : memref<1x80x128xi32, #tpu.memory_space<hbm>> -> memref<80x128xi32, #tpu.memory_space<hbm>>
      tpu.enqueue_dma source(%dma_start3A_15 : memref<80x128xi32, #tpu.memory_space<hbm>>) target(%arg8 : memref<80x128xi32, #tpu.memory_space<vmem>>) target_semaphore(%run_scoped3A : memref<!tpu.dma_semaphore, #tpu.memory_space<semaphore_mem>>)
      %dma_wait3A = arith.constant 0 : i32
      %dma_wait3A_16 = arith.constant 0 : i32
      %dma_wait3A_17 = tpu.memref_slice %arg4[%add3A, %dma_wait3A, %dma_wait3A_16] : memref<32x80x128xi32, #tpu.memory_space<hbm>> -> memref<1x80x128xi32, #tpu.memory_space<hbm>>
      %dma_wait3A_18 = tpu.memref_squeeze %dma_wait3A_17 : memref<1x80x128xi32, #tpu.memory_space<hbm>> -> memref<80x128xi32, #tpu.memory_space<hbm>>
      %dma_wait3A_19 = arith.constant 0 : i32
      %dma_wait3A_20 = arith.constant 0 : i32
      %dma_wait3A_21 = tpu.memref_slice %arg4[%add3A, %dma_wait3A_19, %dma_wait3A_20] : memref<32x80x128xi32, #tpu.memory_space<hbm>> -> memref<1x80x128xi32, #tpu.memory_space<hbm>>
      %dma_wait3A_22 = tpu.memref_squeeze %dma_wait3A_21 : memref<1x80x128xi32, #tpu.memory_space<hbm>> -> memref<80x128xi32, #tpu.memory_space<hbm>>
      tpu.wait_dma2 semaphore(%run_scoped3A : memref<!tpu.dma_semaphore, #tpu.memory_space<semaphore_mem>>) src(%dma_wait3A_22 : memref<80x128xi32, #tpu.memory_space<hbm>>) dst(%arg8 : memref<80x128xi32, #tpu.memory_space<vmem>>)
      tpu.yield
    }) : () -> ()
    %mul3A_1 = arith.constant 632 : i32
    %mul3A_2 = arith.muli %arg1, %mul3A_1 : i32
    "tpu.region"() ({
      %run_scoped3A = tpu.sem_alloc : memref<!tpu.dma_semaphore, #tpu.memory_space<semaphore_mem>>
      %dma_start3A = arith.constant 0 : i32
      %dma_start3A_9 = tpu.memref_slice %arg11[%mul3A_2, %dma_start3A] : memref<10112x64xf32, #tpu.memory_space<vmem_shared>> -> memref<632x64xf32, #tpu.memory_space<vmem_shared>>
      %dma_start3A_10 = arith.constant 0 : i32
      %dma_start3A_11 = tpu.memref_slice %arg5[%mul3A_2, %dma_start3A_10] : memref<10112x64xf32, #tpu.memory_space<hbm>> -> memref<632x64xf32, #tpu.memory_space<hbm>>
      tpu.enqueue_dma source(%dma_start3A_11 : memref<632x64xf32, #tpu.memory_space<hbm>>) target(%dma_start3A_9 : memref<632x64xf32, #tpu.memory_space<vmem_shared>>) target_semaphore(%run_scoped3A : memref<!tpu.dma_semaphore, #tpu.memory_space<semaphore_mem>>)
      %dma_wait3A = arith.constant 0 : i32
      %dma_wait3A_12 = tpu.memref_slice %arg11[%mul3A_2, %dma_wait3A] : memref<10112x64xf32, #tpu.memory_space<vmem_shared>> -> memref<632x64xf32, #tpu.memory_space<vmem_shared>>
      %dma_wait3A_13 = arith.constant 0 : i32
      %dma_wait3A_14 = tpu.memref_slice %arg5[%mul3A_2, %dma_wait3A_13] : memref<10112x64xf32, #tpu.memory_space<hbm>> -> memref<632x64xf32, #tpu.memory_space<hbm>>
      tpu.wait_dma2 semaphore(%run_scoped3A : memref<!tpu.dma_semaphore, #tpu.memory_space<semaphore_mem>>) src(%dma_wait3A_14 : memref<632x64xf32, #tpu.memory_space<hbm>>) dst(%dma_wait3A_12 : memref<632x64xf32, #tpu.memory_space<vmem_shared>>)
      tpu.yield
    }) : () -> ()
    "tpu.region"() ({
      %run_scoped3A = tpu.sem_alloc : memref<!tpu.dma_semaphore, #tpu.memory_space<semaphore_mem>>
      %dma_start3A = arith.constant 0 : i32
      %dma_start3A_9 = tpu.memref_slice %arg12[%mul3A_2, %dma_start3A] : memref<10112x64xf32, #tpu.memory_space<vmem_shared>> -> memref<632x64xf32, #tpu.memory_space<vmem_shared>>
      %dma_start3A_10 = arith.constant 0 : i32
      %dma_start3A_11 = tpu.memref_slice %arg2[%mul3A_2, %dma_start3A_10] : memref<10112x64xf32, #tpu.memory_space<hbm>> -> memref<632x64xf32, #tpu.memory_space<hbm>>
      tpu.enqueue_dma source(%dma_start3A_11 : memref<632x64xf32, #tpu.memory_space<hbm>>) target(%dma_start3A_9 : memref<632x64xf32, #tpu.memory_space<vmem_shared>>) target_semaphore(%run_scoped3A : memref<!tpu.dma_semaphore, #tpu.memory_space<semaphore_mem>>)
      %dma_wait3A = arith.constant 0 : i32
      %dma_wait3A_12 = tpu.memref_slice %arg12[%mul3A_2, %dma_wait3A] : memref<10112x64xf32, #tpu.memory_space<vmem_shared>> -> memref<632x64xf32, #tpu.memory_space<vmem_shared>>
      %dma_wait3A_13 = arith.constant 0 : i32
      %dma_wait3A_14 = tpu.memref_slice %arg2[%mul3A_2, %dma_wait3A_13] : memref<10112x64xf32, #tpu.memory_space<hbm>> -> memref<632x64xf32, #tpu.memory_space<hbm>>
      tpu.wait_dma2 semaphore(%run_scoped3A : memref<!tpu.dma_semaphore, #tpu.memory_space<semaphore_mem>>) src(%dma_wait3A_14 : memref<632x64xf32, #tpu.memory_space<hbm>>) dst(%dma_wait3A_12 : memref<632x64xf32, #tpu.memory_space<vmem_shared>>)
      tpu.yield
    }) : () -> ()
    %barrier3A = arith.constant 0 : index
    tpu.barrier barrier_id(%barrier3A)
    %scan3A = arith.constant 0 : i32
    %scan3A_3 = arith.constant 0 : i32
    %scan3A_4 = arith.constant 40 : i32
    %scan3A_5 = arith.addi %scan3A_3, %scan3A_4 : i32
    %scan3A_6 = arith.constant 1 : i32
    scf.for %scan3A_9 = %scan3A_3 to %scan3A_5 step %scan3A_6  : i32 {
      %mul3A_10 = arith.constant 2 : i32
      %mul3A_11 = arith.muli %mul3A_10, %scan3A_9 : i32
      %add3A_12 = arith.constant 1 : i32
      %add3A_13 = arith.addi %mul3A_11, %add3A_12 : i32
      "tpu.region"() ({
        %run_scoped3A = tpu.sem_alloc : memref<!tpu.dma_semaphore, #tpu.memory_space<semaphore_mem>>
        %dma_start3A_24 = arith.constant 0 : i32
        %dma_start3A_25 = tpu.memref_slice %arg7[%mul3A_11, %dma_start3A_24] : memref<80x128xi32, #tpu.memory_space<vmem>> -> memref<1x128xi32, #tpu.memory_space<vmem>>
        %dma_start3A_26 = tpu.memref_squeeze %dma_start3A_25 : memref<1x128xi32, #tpu.memory_space<vmem>> -> memref<128xi32, #tpu.memory_space<vmem>>
        %dma_start3A_27 = arith.constant 0 : i32
        %dma_start3A_28 = arith.constant 0 : i32
        %dma_start3A_29 = tpu.memref_slice %arg12[%dma_start3A_27, %dma_start3A_28] : memref<10112x64xf32, #tpu.memory_space<vmem_shared>> -> memref<10112x64xf32, #tpu.memory_space<vmem_shared>>
        tpu.enqueue_indirect_dma source(%dma_start3A_29 : memref<10112x64xf32, #tpu.memory_space<vmem_shared>>) target(%arg9 : memref<128x64xf32, #tpu.memory_space<vmem>>) offsets(%dma_start3A_26 : memref<128xi32, #tpu.memory_space<vmem>>) semaphore(%run_scoped3A : memref<!tpu.dma_semaphore, #tpu.memory_space<semaphore_mem>>)
        %dma_wait3A_30 = arith.constant 0 : i32
        %dma_wait3A_31 = tpu.memref_slice %arg7[%mul3A_11, %dma_wait3A_30] : memref<80x128xi32, #tpu.memory_space<vmem>> -> memref<1x128xi32, #tpu.memory_space<vmem>>
        %dma_wait3A_32 = tpu.memref_squeeze %dma_wait3A_31 : memref<1x128xi32, #tpu.memory_space<vmem>> -> memref<128xi32, #tpu.memory_space<vmem>>
        %dma_wait3A_33 = arith.constant 0 : i32
        %dma_wait3A_34 = arith.constant 0 : i32
        %dma_wait3A_35 = tpu.memref_slice %arg12[%dma_wait3A_33, %dma_wait3A_34] : memref<10112x64xf32, #tpu.memory_space<vmem_shared>> -> memref<10112x64xf32, #tpu.memory_space<vmem_shared>>
        tpu.wait_indirect_dma semaphore(%run_scoped3A : memref<!tpu.dma_semaphore, #tpu.memory_space<semaphore_mem>>) src(%dma_wait3A_35 : memref<10112x64xf32, #tpu.memory_space<vmem_shared>>) dst(%arg9 : memref<128x64xf32, #tpu.memory_space<vmem>>)
        tpu.yield
      }) : () -> ()
      %dma_start3A = arith.constant 0 : i32
      %dma_start3A_14 = tpu.memref_slice %arg7[%add3A_13, %dma_start3A] : memref<80x128xi32, #tpu.memory_space<vmem>> -> memref<1x128xi32, #tpu.memory_space<vmem>>
      %dma_start3A_15 = tpu.memref_squeeze %dma_start3A_14 : memref<1x128xi32, #tpu.memory_space<vmem>> -> memref<128xi32, #tpu.memory_space<vmem>>
      %dma_start3A_16 = arith.constant 0 : i32
      %dma_start3A_17 = arith.constant 0 : i32
      %dma_start3A_18 = tpu.memref_slice %arg12[%dma_start3A_16, %dma_start3A_17] : memref<10112x64xf32, #tpu.memory_space<vmem_shared>> -> memref<10112x64xf32, #tpu.memory_space<vmem_shared>>
      tpu.enqueue_indirect_dma source(%dma_start3A_18 : memref<10112x64xf32, #tpu.memory_space<vmem_shared>>) target(%arg10 : memref<128x64xf32, #tpu.memory_space<vmem>>) offsets(%dma_start3A_15 : memref<128xi32, #tpu.memory_space<vmem>>) semaphore(%arg13 : memref<!tpu.dma_semaphore, #tpu.memory_space<semaphore_mem>>)
      "tpu.region"() ({
        %run_scoped3A = tpu.sem_alloc : memref<!tpu.dma_semaphore, #tpu.memory_space<semaphore_mem>>
        %dma_start3A_24 = arith.constant 0 : i32
        %dma_start3A_25 = tpu.memref_slice %arg8[%mul3A_11, %dma_start3A_24] : memref<80x128xi32, #tpu.memory_space<vmem>> -> memref<1x128xi32, #tpu.memory_space<vmem>>
        %dma_start3A_26 = tpu.memref_squeeze %dma_start3A_25 : memref<1x128xi32, #tpu.memory_space<vmem>> -> memref<128xi32, #tpu.memory_space<vmem>>
        %dma_start3A_27 = arith.constant 0 : i32
        %dma_start3A_28 = arith.constant 0 : i32
        %dma_start3A_29 = tpu.memref_slice %arg11[%dma_start3A_27, %dma_start3A_28] : memref<10112x64xf32, #tpu.memory_space<vmem_shared>> -> memref<10112x64xf32, #tpu.memory_space<vmem_shared>>
        tpu.enqueue_indirect_dma source(%arg9 : memref<128x64xf32, #tpu.memory_space<vmem>>) target(%dma_start3A_29 : memref<10112x64xf32, #tpu.memory_space<vmem_shared>>) offsets(%dma_start3A_26 : memref<128xi32, #tpu.memory_space<vmem>>) semaphore(%run_scoped3A : memref<!tpu.dma_semaphore, #tpu.memory_space<semaphore_mem>>) {add = true}
        %dma_wait3A_30 = arith.constant 0 : i32
        %dma_wait3A_31 = tpu.memref_slice %arg8[%mul3A_11, %dma_wait3A_30] : memref<80x128xi32, #tpu.memory_space<vmem>> -> memref<1x128xi32, #tpu.memory_space<vmem>>
        %dma_wait3A_32 = tpu.memref_squeeze %dma_wait3A_31 : memref<1x128xi32, #tpu.memory_space<vmem>> -> memref<128xi32, #tpu.memory_space<vmem>>
        %dma_wait3A_33 = arith.constant 0 : i32
        %dma_wait3A_34 = arith.constant 0 : i32
        %dma_wait3A_35 = tpu.memref_slice %arg11[%dma_wait3A_33, %dma_wait3A_34] : memref<10112x64xf32, #tpu.memory_space<vmem_shared>> -> memref<10112x64xf32, #tpu.memory_space<vmem_shared>>
        tpu.wait_indirect_dma semaphore(%run_scoped3A : memref<!tpu.dma_semaphore, #tpu.memory_space<semaphore_mem>>) src(%arg9 : memref<128x64xf32, #tpu.memory_space<vmem>>) dst(%dma_wait3A_35 : memref<10112x64xf32, #tpu.memory_space<vmem_shared>>)
        tpu.yield
      }) : () -> ()
      %dma_wait3A = arith.constant 0 : i32
      %dma_wait3A_19 = tpu.memref_slice %arg7[%add3A_13, %dma_wait3A] : memref<80x128xi32, #tpu.memory_space<vmem>> -> memref<1x128xi32, #tpu.memory_space<vmem>>
      %dma_wait3A_20 = tpu.memref_squeeze %dma_wait3A_19 : memref<1x128xi32, #tpu.memory_space<vmem>> -> memref<128xi32, #tpu.memory_space<vmem>>
      %dma_wait3A_21 = arith.constant 0 : i32
      %dma_wait3A_22 = arith.constant 0 : i32
      %dma_wait3A_23 = tpu.memref_slice %arg12[%dma_wait3A_21, %dma_wait3A_22] : memref<10112x64xf32, #tpu.memory_space<vmem_shared>> -> memref<10112x64xf32, #tpu.memory_space<vmem_shared>>
      tpu.wait_indirect_dma semaphore(%arg13 : memref<!tpu.dma_semaphore, #tpu.memory_space<semaphore_mem>>) src(%dma_wait3A_23 : memref<10112x64xf32, #tpu.memory_space<vmem_shared>>) dst(%arg10 : memref<128x64xf32, #tpu.memory_space<vmem>>)
      "tpu.region"() ({
        %run_scoped3A = tpu.sem_alloc : memref<!tpu.dma_semaphore, #tpu.memory_space<semaphore_mem>>
        %dma_start3A_24 = arith.constant 0 : i32
        %dma_start3A_25 = tpu.memref_slice %arg8[%add3A_13, %dma_start3A_24] : memref<80x128xi32, #tpu.memory_space<vmem>> -> memref<1x128xi32, #tpu.memory_space<vmem>>
        %dma_start3A_26 = tpu.memref_squeeze %dma_start3A_25 : memref<1x128xi32, #tpu.memory_space<vmem>> -> memref<128xi32, #tpu.memory_space<vmem>>
        %dma_start3A_27 = arith.constant 0 : i32
        %dma_start3A_28 = arith.constant 0 : i32
        %dma_start3A_29 = tpu.memref_slice %arg11[%dma_start3A_27, %dma_start3A_28] : memref<10112x64xf32, #tpu.memory_space<vmem_shared>> -> memref<10112x64xf32, #tpu.memory_space<vmem_shared>>
        tpu.enqueue_indirect_dma source(%arg10 : memref<128x64xf32, #tpu.memory_space<vmem>>) target(%dma_start3A_29 : memref<10112x64xf32, #tpu.memory_space<vmem_shared>>) offsets(%dma_start3A_26 : memref<128xi32, #tpu.memory_space<vmem>>) semaphore(%run_scoped3A : memref<!tpu.dma_semaphore, #tpu.memory_space<semaphore_mem>>) {add = true}
        %dma_wait3A_30 = arith.constant 0 : i32
        %dma_wait3A_31 = tpu.memref_slice %arg8[%add3A_13, %dma_wait3A_30] : memref<80x128xi32, #tpu.memory_space<vmem>> -> memref<1x128xi32, #tpu.memory_space<vmem>>
        %dma_wait3A_32 = tpu.memref_squeeze %dma_wait3A_31 : memref<1x128xi32, #tpu.memory_space<vmem>> -> memref<128xi32, #tpu.memory_space<vmem>>
        %dma_wait3A_33 = arith.constant 0 : i32
        %dma_wait3A_34 = arith.constant 0 : i32
        %dma_wait3A_35 = tpu.memref_slice %arg11[%dma_wait3A_33, %dma_wait3A_34] : memref<10112x64xf32, #tpu.memory_space<vmem_shared>> -> memref<10112x64xf32, #tpu.memory_space<vmem_shared>>
        tpu.wait_indirect_dma semaphore(%run_scoped3A : memref<!tpu.dma_semaphore, #tpu.memory_space<semaphore_mem>>) src(%arg10 : memref<128x64xf32, #tpu.memory_space<vmem>>) dst(%dma_wait3A_35 : memref<10112x64xf32, #tpu.memory_space<vmem_shared>>)
        tpu.yield
      }) : () -> ()
    }
    %scan3A_7 = arith.constant 40 : i32
    %barrier3A_8 = arith.constant 0 : index
    tpu.barrier barrier_id(%barrier3A_8)
    "tpu.region"() ({
      %run_scoped3A = tpu.sem_alloc : memref<!tpu.dma_semaphore, #tpu.memory_space<semaphore_mem>>
      %dma_start3A = arith.constant 0 : i32
      %dma_start3A_9 = tpu.memref_slice %arg6[%arg0, %mul3A_2, %dma_start3A] : memref<2x10112x64xf32, #tpu.memory_space<hbm>> -> memref<1x632x64xf32, #tpu.memory_space<hbm>>
      %dma_start3A_10 = tpu.memref_squeeze %dma_start3A_9 : memref<1x632x64xf32, #tpu.memory_space<hbm>> -> memref<632x64xf32, #tpu.memory_space<hbm>>
      %dma_start3A_11 = arith.constant 0 : i32
      %dma_start3A_12 = tpu.memref_slice %arg11[%mul3A_2, %dma_start3A_11] : memref<10112x64xf32, #tpu.memory_space<vmem_shared>> -> memref<632x64xf32, #tpu.memory_space<vmem_shared>>
      tpu.enqueue_dma source(%dma_start3A_12 : memref<632x64xf32, #tpu.memory_space<vmem_shared>>) target(%dma_start3A_10 : memref<632x64xf32, #tpu.memory_space<hbm>>) target_semaphore(%run_scoped3A : memref<!tpu.dma_semaphore, #tpu.memory_space<semaphore_mem>>)
      %dma_wait3A = arith.constant 0 : i32
      %dma_wait3A_13 = tpu.memref_slice %arg6[%arg0, %mul3A_2, %dma_wait3A] : memref<2x10112x64xf32, #tpu.memory_space<hbm>> -> memref<1x632x64xf32, #tpu.memory_space<hbm>>
      %dma_wait3A_14 = tpu.memref_squeeze %dma_wait3A_13 : memref<1x632x64xf32, #tpu.memory_space<hbm>> -> memref<632x64xf32, #tpu.memory_space<hbm>>
      %dma_wait3A_15 = arith.constant 0 : i32
      %dma_wait3A_16 = tpu.memref_slice %arg11[%mul3A_2, %dma_wait3A_15] : memref<10112x64xf32, #tpu.memory_space<vmem_shared>> -> memref<632x64xf32, #tpu.memory_space<vmem_shared>>
      tpu.wait_dma2 semaphore(%run_scoped3A : memref<!tpu.dma_semaphore, #tpu.memory_space<semaphore_mem>>) src(%dma_wait3A_16 : memref<632x64xf32, #tpu.memory_space<vmem_shared>>) dst(%dma_wait3A_14 : memref<632x64xf32, #tpu.memory_space<hbm>>)
      tpu.yield
    }) : () -> ()
    return
  }
}

#map = affine_map<(d0, d1) -> (0, 0)>
#map1 = affine_map<(d0, d1) -> (0, 0, 0)>
module attributes {stable_mosaic.version = 14 : i64} {
  func.func @prop(%arg0: i32, %arg1: i32, %arg2: memref<10112x32xf32, #tpu.memory_space<hbm>>, %arg3: memref<32x80x128xi32, #tpu.memory_space<hbm>>, %arg4: memref<32x80x128xi32, #tpu.memory_space<hbm>>, %arg5: memref<10112x32xf32, #tpu.memory_space<hbm>>, %arg6: memref<2x10112x32xf32, #tpu.memory_space<hbm>>, %arg7: memref<80x128xi32, #tpu.memory_space<vmem>>, %arg8: memref<80x128xi32, #tpu.memory_space<vmem>>, %arg9: memref<128x32xf32, #tpu.memory_space<vmem>>, %arg10: memref<128x32xf32, #tpu.memory_space<vmem>>, %arg11: memref<10112x32xf32, #tpu.memory_space<vmem_shared>>, %arg12: memref<10112x32xf32, #tpu.memory_space<vmem_shared>>, %arg13: memref<!tpu.dma_semaphore, #tpu.memory_space<semaphore_mem>>) attributes {dimension_semantics = [#tpu.dimension_semantics<core_parallel>, #tpu.dimension_semantics<subcore_parallel>], iteration_bounds = array<i64: 2, 16>, scalar_prefetch = 0 : i64, scratch_operands = 7 : i64, tpu.core_type = #tpu.core_type<sc_vector_subcore>, window_params = [{transform_indices = #map}, {transform_indices = #map1}, {transform_indices = #map1}, {transform_indices = #map}, {transform_indices = #map1}]} {
    %mul3A = arith.constant 2 : i32
    %mul3A_0 = arith.muli %arg1, %mul3A : i32
    %add3A = arith.addi %mul3A_0, %arg0 : i32
    "tpu.region"() ({
      %run_scoped3A = tpu.sem_alloc : memref<!tpu.dma_semaphore, #tpu.memory_space<semaphore_mem>>
      %dma_start3A = arith.constant 0 : i32
      %dma_start3A_9 = arith.constant 0 : i32
      %dma_start3A_10 = tpu.memref_slice %arg3[%add3A, %dma_start3A, %dma_start3A_9] : memref<32x80x128xi32, #tpu.memory_space<hbm>> -> memref<1x80x128xi32, #tpu.memory_space<hbm>>
      %dma_start3A_11 = tpu.memref_squeeze %dma_start3A_10 : memref<1x80x128xi32, #tpu.memory_space<hbm>> -> memref<80x128xi32, #tpu.memory_space<hbm>>
      %dma_start3A_12 = arith.constant 0 : i32
      %dma_start3A_13 = arith.constant 0 : i32
      %dma_start3A_14 = tpu.memref_slice %arg3[%add3A, %dma_start3A_12, %dma_start3A_13] : memref<32x80x128xi32, #tpu.memory_space<hbm>> -> memref<1x80x128xi32, #tpu.memory_space<hbm>>
      %dma_start3A_15 = tpu.memref_squeeze %dma_start3A_14 : memref<1x80x128xi32, #tpu.memory_space<hbm>> -> memref<80x128xi32, #tpu.memory_space<hbm>>
      tpu.enqueue_dma source(%dma_start3A_15 : memref<80x128xi32, #tpu.memory_space<hbm>>) target(%arg7 : memref<80x128xi32, #tpu.memory_space<vmem>>) target_semaphore(%run_scoped3A : memref<!tpu.dma_semaphore, #tpu.memory_space<semaphore_mem>>)
      %dma_wait3A = arith.constant 0 : i32
      %dma_wait3A_16 = arith.constant 0 : i32
      %dma_wait3A_17 = tpu.memref_slice %arg3[%add3A, %dma_wait3A, %dma_wait3A_16] : memref<32x80x128xi32, #tpu.memory_space<hbm>> -> memref<1x80x128xi32, #tpu.memory_space<hbm>>
      %dma_wait3A_18 = tpu.memref_squeeze %dma_wait3A_17 : memref<1x80x128xi32, #tpu.memory_space<hbm>> -> memref<80x128xi32, #tpu.memory_space<hbm>>
      %dma_wait3A_19 = arith.constant 0 : i32
      %dma_wait3A_20 = arith.constant 0 : i32
      %dma_wait3A_21 = tpu.memref_slice %arg3[%add3A, %dma_wait3A_19, %dma_wait3A_20] : memref<32x80x128xi32, #tpu.memory_space<hbm>> -> memref<1x80x128xi32, #tpu.memory_space<hbm>>
      %dma_wait3A_22 = tpu.memref_squeeze %dma_wait3A_21 : memref<1x80x128xi32, #tpu.memory_space<hbm>> -> memref<80x128xi32, #tpu.memory_space<hbm>>
      tpu.wait_dma2 semaphore(%run_scoped3A : memref<!tpu.dma_semaphore, #tpu.memory_space<semaphore_mem>>) src(%dma_wait3A_22 : memref<80x128xi32, #tpu.memory_space<hbm>>) dst(%arg7 : memref<80x128xi32, #tpu.memory_space<vmem>>)
      tpu.yield
    }) : () -> ()
    "tpu.region"() ({
      %run_scoped3A = tpu.sem_alloc : memref<!tpu.dma_semaphore, #tpu.memory_space<semaphore_mem>>
      %dma_start3A = arith.constant 0 : i32
      %dma_start3A_9 = arith.constant 0 : i32
      %dma_start3A_10 = tpu.memref_slice %arg4[%add3A, %dma_start3A, %dma_start3A_9] : memref<32x80x128xi32, #tpu.memory_space<hbm>> -> memref<1x80x128xi32, #tpu.memory_space<hbm>>
      %dma_start3A_11 = tpu.memref_squeeze %dma_start3A_10 : memref<1x80x128xi32, #tpu.memory_space<hbm>> -> memref<80x128xi32, #tpu.memory_space<hbm>>
      %dma_start3A_12 = arith.constant 0 : i32
      %dma_start3A_13 = arith.constant 0 : i32
      %dma_start3A_14 = tpu.memref_slice %arg4[%add3A, %dma_start3A_12, %dma_start3A_13] : memref<32x80x128xi32, #tpu.memory_space<hbm>> -> memref<1x80x128xi32, #tpu.memory_space<hbm>>
      %dma_start3A_15 = tpu.memref_squeeze %dma_start3A_14 : memref<1x80x128xi32, #tpu.memory_space<hbm>> -> memref<80x128xi32, #tpu.memory_space<hbm>>
      tpu.enqueue_dma source(%dma_start3A_15 : memref<80x128xi32, #tpu.memory_space<hbm>>) target(%arg8 : memref<80x128xi32, #tpu.memory_space<vmem>>) target_semaphore(%run_scoped3A : memref<!tpu.dma_semaphore, #tpu.memory_space<semaphore_mem>>)
      %dma_wait3A = arith.constant 0 : i32
      %dma_wait3A_16 = arith.constant 0 : i32
      %dma_wait3A_17 = tpu.memref_slice %arg4[%add3A, %dma_wait3A, %dma_wait3A_16] : memref<32x80x128xi32, #tpu.memory_space<hbm>> -> memref<1x80x128xi32, #tpu.memory_space<hbm>>
      %dma_wait3A_18 = tpu.memref_squeeze %dma_wait3A_17 : memref<1x80x128xi32, #tpu.memory_space<hbm>> -> memref<80x128xi32, #tpu.memory_space<hbm>>
      %dma_wait3A_19 = arith.constant 0 : i32
      %dma_wait3A_20 = arith.constant 0 : i32
      %dma_wait3A_21 = tpu.memref_slice %arg4[%add3A, %dma_wait3A_19, %dma_wait3A_20] : memref<32x80x128xi32, #tpu.memory_space<hbm>> -> memref<1x80x128xi32, #tpu.memory_space<hbm>>
      %dma_wait3A_22 = tpu.memref_squeeze %dma_wait3A_21 : memref<1x80x128xi32, #tpu.memory_space<hbm>> -> memref<80x128xi32, #tpu.memory_space<hbm>>
      tpu.wait_dma2 semaphore(%run_scoped3A : memref<!tpu.dma_semaphore, #tpu.memory_space<semaphore_mem>>) src(%dma_wait3A_22 : memref<80x128xi32, #tpu.memory_space<hbm>>) dst(%arg8 : memref<80x128xi32, #tpu.memory_space<vmem>>)
      tpu.yield
    }) : () -> ()
    %mul3A_1 = arith.constant 632 : i32
    %mul3A_2 = arith.muli %arg1, %mul3A_1 : i32
    "tpu.region"() ({
      %run_scoped3A = tpu.sem_alloc : memref<!tpu.dma_semaphore, #tpu.memory_space<semaphore_mem>>
      %dma_start3A = arith.constant 0 : i32
      %dma_start3A_9 = tpu.memref_slice %arg11[%mul3A_2, %dma_start3A] : memref<10112x32xf32, #tpu.memory_space<vmem_shared>> -> memref<632x32xf32, #tpu.memory_space<vmem_shared>>
      %dma_start3A_10 = arith.constant 0 : i32
      %dma_start3A_11 = tpu.memref_slice %arg5[%mul3A_2, %dma_start3A_10] : memref<10112x32xf32, #tpu.memory_space<hbm>> -> memref<632x32xf32, #tpu.memory_space<hbm>>
      tpu.enqueue_dma source(%dma_start3A_11 : memref<632x32xf32, #tpu.memory_space<hbm>>) target(%dma_start3A_9 : memref<632x32xf32, #tpu.memory_space<vmem_shared>>) target_semaphore(%run_scoped3A : memref<!tpu.dma_semaphore, #tpu.memory_space<semaphore_mem>>)
      %dma_wait3A = arith.constant 0 : i32
      %dma_wait3A_12 = tpu.memref_slice %arg11[%mul3A_2, %dma_wait3A] : memref<10112x32xf32, #tpu.memory_space<vmem_shared>> -> memref<632x32xf32, #tpu.memory_space<vmem_shared>>
      %dma_wait3A_13 = arith.constant 0 : i32
      %dma_wait3A_14 = tpu.memref_slice %arg5[%mul3A_2, %dma_wait3A_13] : memref<10112x32xf32, #tpu.memory_space<hbm>> -> memref<632x32xf32, #tpu.memory_space<hbm>>
      tpu.wait_dma2 semaphore(%run_scoped3A : memref<!tpu.dma_semaphore, #tpu.memory_space<semaphore_mem>>) src(%dma_wait3A_14 : memref<632x32xf32, #tpu.memory_space<hbm>>) dst(%dma_wait3A_12 : memref<632x32xf32, #tpu.memory_space<vmem_shared>>)
      tpu.yield
    }) : () -> ()
    "tpu.region"() ({
      %run_scoped3A = tpu.sem_alloc : memref<!tpu.dma_semaphore, #tpu.memory_space<semaphore_mem>>
      %dma_start3A = arith.constant 0 : i32
      %dma_start3A_9 = tpu.memref_slice %arg12[%mul3A_2, %dma_start3A] : memref<10112x32xf32, #tpu.memory_space<vmem_shared>> -> memref<632x32xf32, #tpu.memory_space<vmem_shared>>
      %dma_start3A_10 = arith.constant 0 : i32
      %dma_start3A_11 = tpu.memref_slice %arg2[%mul3A_2, %dma_start3A_10] : memref<10112x32xf32, #tpu.memory_space<hbm>> -> memref<632x32xf32, #tpu.memory_space<hbm>>
      tpu.enqueue_dma source(%dma_start3A_11 : memref<632x32xf32, #tpu.memory_space<hbm>>) target(%dma_start3A_9 : memref<632x32xf32, #tpu.memory_space<vmem_shared>>) target_semaphore(%run_scoped3A : memref<!tpu.dma_semaphore, #tpu.memory_space<semaphore_mem>>)
      %dma_wait3A = arith.constant 0 : i32
      %dma_wait3A_12 = tpu.memref_slice %arg12[%mul3A_2, %dma_wait3A] : memref<10112x32xf32, #tpu.memory_space<vmem_shared>> -> memref<632x32xf32, #tpu.memory_space<vmem_shared>>
      %dma_wait3A_13 = arith.constant 0 : i32
      %dma_wait3A_14 = tpu.memref_slice %arg2[%mul3A_2, %dma_wait3A_13] : memref<10112x32xf32, #tpu.memory_space<hbm>> -> memref<632x32xf32, #tpu.memory_space<hbm>>
      tpu.wait_dma2 semaphore(%run_scoped3A : memref<!tpu.dma_semaphore, #tpu.memory_space<semaphore_mem>>) src(%dma_wait3A_14 : memref<632x32xf32, #tpu.memory_space<hbm>>) dst(%dma_wait3A_12 : memref<632x32xf32, #tpu.memory_space<vmem_shared>>)
      tpu.yield
    }) : () -> ()
    %barrier3A = arith.constant 0 : index
    tpu.barrier barrier_id(%barrier3A)
    %scan3A = arith.constant 0 : i32
    %scan3A_3 = arith.constant 0 : i32
    %scan3A_4 = arith.constant 40 : i32
    %scan3A_5 = arith.addi %scan3A_3, %scan3A_4 : i32
    %scan3A_6 = arith.constant 1 : i32
    scf.for %scan3A_9 = %scan3A_3 to %scan3A_5 step %scan3A_6  : i32 {
      %mul3A_10 = arith.constant 2 : i32
      %mul3A_11 = arith.muli %mul3A_10, %scan3A_9 : i32
      %add3A_12 = arith.constant 1 : i32
      %add3A_13 = arith.addi %mul3A_11, %add3A_12 : i32
      "tpu.region"() ({
        %run_scoped3A = tpu.sem_alloc : memref<!tpu.dma_semaphore, #tpu.memory_space<semaphore_mem>>
        %dma_start3A_24 = arith.constant 0 : i32
        %dma_start3A_25 = tpu.memref_slice %arg7[%mul3A_11, %dma_start3A_24] : memref<80x128xi32, #tpu.memory_space<vmem>> -> memref<1x128xi32, #tpu.memory_space<vmem>>
        %dma_start3A_26 = tpu.memref_squeeze %dma_start3A_25 : memref<1x128xi32, #tpu.memory_space<vmem>> -> memref<128xi32, #tpu.memory_space<vmem>>
        %dma_start3A_27 = arith.constant 0 : i32
        %dma_start3A_28 = arith.constant 0 : i32
        %dma_start3A_29 = tpu.memref_slice %arg12[%dma_start3A_27, %dma_start3A_28] : memref<10112x32xf32, #tpu.memory_space<vmem_shared>> -> memref<10112x32xf32, #tpu.memory_space<vmem_shared>>
        tpu.enqueue_indirect_dma source(%dma_start3A_29 : memref<10112x32xf32, #tpu.memory_space<vmem_shared>>) target(%arg9 : memref<128x32xf32, #tpu.memory_space<vmem>>) offsets(%dma_start3A_26 : memref<128xi32, #tpu.memory_space<vmem>>) semaphore(%run_scoped3A : memref<!tpu.dma_semaphore, #tpu.memory_space<semaphore_mem>>)
        %dma_wait3A_30 = arith.constant 0 : i32
        %dma_wait3A_31 = tpu.memref_slice %arg7[%mul3A_11, %dma_wait3A_30] : memref<80x128xi32, #tpu.memory_space<vmem>> -> memref<1x128xi32, #tpu.memory_space<vmem>>
        %dma_wait3A_32 = tpu.memref_squeeze %dma_wait3A_31 : memref<1x128xi32, #tpu.memory_space<vmem>> -> memref<128xi32, #tpu.memory_space<vmem>>
        %dma_wait3A_33 = arith.constant 0 : i32
        %dma_wait3A_34 = arith.constant 0 : i32
        %dma_wait3A_35 = tpu.memref_slice %arg12[%dma_wait3A_33, %dma_wait3A_34] : memref<10112x32xf32, #tpu.memory_space<vmem_shared>> -> memref<10112x32xf32, #tpu.memory_space<vmem_shared>>
        tpu.wait_indirect_dma semaphore(%run_scoped3A : memref<!tpu.dma_semaphore, #tpu.memory_space<semaphore_mem>>) src(%dma_wait3A_35 : memref<10112x32xf32, #tpu.memory_space<vmem_shared>>) dst(%arg9 : memref<128x32xf32, #tpu.memory_space<vmem>>)
        tpu.yield
      }) : () -> ()
      %dma_start3A = arith.constant 0 : i32
      %dma_start3A_14 = tpu.memref_slice %arg7[%add3A_13, %dma_start3A] : memref<80x128xi32, #tpu.memory_space<vmem>> -> memref<1x128xi32, #tpu.memory_space<vmem>>
      %dma_start3A_15 = tpu.memref_squeeze %dma_start3A_14 : memref<1x128xi32, #tpu.memory_space<vmem>> -> memref<128xi32, #tpu.memory_space<vmem>>
      %dma_start3A_16 = arith.constant 0 : i32
      %dma_start3A_17 = arith.constant 0 : i32
      %dma_start3A_18 = tpu.memref_slice %arg12[%dma_start3A_16, %dma_start3A_17] : memref<10112x32xf32, #tpu.memory_space<vmem_shared>> -> memref<10112x32xf32, #tpu.memory_space<vmem_shared>>
      tpu.enqueue_indirect_dma source(%dma_start3A_18 : memref<10112x32xf32, #tpu.memory_space<vmem_shared>>) target(%arg10 : memref<128x32xf32, #tpu.memory_space<vmem>>) offsets(%dma_start3A_15 : memref<128xi32, #tpu.memory_space<vmem>>) semaphore(%arg13 : memref<!tpu.dma_semaphore, #tpu.memory_space<semaphore_mem>>)
      "tpu.region"() ({
        %run_scoped3A = tpu.sem_alloc : memref<!tpu.dma_semaphore, #tpu.memory_space<semaphore_mem>>
        %dma_start3A_24 = arith.constant 0 : i32
        %dma_start3A_25 = tpu.memref_slice %arg8[%mul3A_11, %dma_start3A_24] : memref<80x128xi32, #tpu.memory_space<vmem>> -> memref<1x128xi32, #tpu.memory_space<vmem>>
        %dma_start3A_26 = tpu.memref_squeeze %dma_start3A_25 : memref<1x128xi32, #tpu.memory_space<vmem>> -> memref<128xi32, #tpu.memory_space<vmem>>
        %dma_start3A_27 = arith.constant 0 : i32
        %dma_start3A_28 = arith.constant 0 : i32
        %dma_start3A_29 = tpu.memref_slice %arg11[%dma_start3A_27, %dma_start3A_28] : memref<10112x32xf32, #tpu.memory_space<vmem_shared>> -> memref<10112x32xf32, #tpu.memory_space<vmem_shared>>
        tpu.enqueue_indirect_dma source(%arg9 : memref<128x32xf32, #tpu.memory_space<vmem>>) target(%dma_start3A_29 : memref<10112x32xf32, #tpu.memory_space<vmem_shared>>) offsets(%dma_start3A_26 : memref<128xi32, #tpu.memory_space<vmem>>) semaphore(%run_scoped3A : memref<!tpu.dma_semaphore, #tpu.memory_space<semaphore_mem>>) {add = true}
        %dma_wait3A_30 = arith.constant 0 : i32
        %dma_wait3A_31 = tpu.memref_slice %arg8[%mul3A_11, %dma_wait3A_30] : memref<80x128xi32, #tpu.memory_space<vmem>> -> memref<1x128xi32, #tpu.memory_space<vmem>>
        %dma_wait3A_32 = tpu.memref_squeeze %dma_wait3A_31 : memref<1x128xi32, #tpu.memory_space<vmem>> -> memref<128xi32, #tpu.memory_space<vmem>>
        %dma_wait3A_33 = arith.constant 0 : i32
        %dma_wait3A_34 = arith.constant 0 : i32
        %dma_wait3A_35 = tpu.memref_slice %arg11[%dma_wait3A_33, %dma_wait3A_34] : memref<10112x32xf32, #tpu.memory_space<vmem_shared>> -> memref<10112x32xf32, #tpu.memory_space<vmem_shared>>
        tpu.wait_indirect_dma semaphore(%run_scoped3A : memref<!tpu.dma_semaphore, #tpu.memory_space<semaphore_mem>>) src(%arg9 : memref<128x32xf32, #tpu.memory_space<vmem>>) dst(%dma_wait3A_35 : memref<10112x32xf32, #tpu.memory_space<vmem_shared>>)
        tpu.yield
      }) : () -> ()
      %dma_wait3A = arith.constant 0 : i32
      %dma_wait3A_19 = tpu.memref_slice %arg7[%add3A_13, %dma_wait3A] : memref<80x128xi32, #tpu.memory_space<vmem>> -> memref<1x128xi32, #tpu.memory_space<vmem>>
      %dma_wait3A_20 = tpu.memref_squeeze %dma_wait3A_19 : memref<1x128xi32, #tpu.memory_space<vmem>> -> memref<128xi32, #tpu.memory_space<vmem>>
      %dma_wait3A_21 = arith.constant 0 : i32
      %dma_wait3A_22 = arith.constant 0 : i32
      %dma_wait3A_23 = tpu.memref_slice %arg12[%dma_wait3A_21, %dma_wait3A_22] : memref<10112x32xf32, #tpu.memory_space<vmem_shared>> -> memref<10112x32xf32, #tpu.memory_space<vmem_shared>>
      tpu.wait_indirect_dma semaphore(%arg13 : memref<!tpu.dma_semaphore, #tpu.memory_space<semaphore_mem>>) src(%dma_wait3A_23 : memref<10112x32xf32, #tpu.memory_space<vmem_shared>>) dst(%arg10 : memref<128x32xf32, #tpu.memory_space<vmem>>)
      "tpu.region"() ({
        %run_scoped3A = tpu.sem_alloc : memref<!tpu.dma_semaphore, #tpu.memory_space<semaphore_mem>>
        %dma_start3A_24 = arith.constant 0 : i32
        %dma_start3A_25 = tpu.memref_slice %arg8[%add3A_13, %dma_start3A_24] : memref<80x128xi32, #tpu.memory_space<vmem>> -> memref<1x128xi32, #tpu.memory_space<vmem>>
        %dma_start3A_26 = tpu.memref_squeeze %dma_start3A_25 : memref<1x128xi32, #tpu.memory_space<vmem>> -> memref<128xi32, #tpu.memory_space<vmem>>
        %dma_start3A_27 = arith.constant 0 : i32
        %dma_start3A_28 = arith.constant 0 : i32
        %dma_start3A_29 = tpu.memref_slice %arg11[%dma_start3A_27, %dma_start3A_28] : memref<10112x32xf32, #tpu.memory_space<vmem_shared>> -> memref<10112x32xf32, #tpu.memory_space<vmem_shared>>
        tpu.enqueue_indirect_dma source(%arg10 : memref<128x32xf32, #tpu.memory_space<vmem>>) target(%dma_start3A_29 : memref<10112x32xf32, #tpu.memory_space<vmem_shared>>) offsets(%dma_start3A_26 : memref<128xi32, #tpu.memory_space<vmem>>) semaphore(%run_scoped3A : memref<!tpu.dma_semaphore, #tpu.memory_space<semaphore_mem>>) {add = true}
        %dma_wait3A_30 = arith.constant 0 : i32
        %dma_wait3A_31 = tpu.memref_slice %arg8[%add3A_13, %dma_wait3A_30] : memref<80x128xi32, #tpu.memory_space<vmem>> -> memref<1x128xi32, #tpu.memory_space<vmem>>
        %dma_wait3A_32 = tpu.memref_squeeze %dma_wait3A_31 : memref<1x128xi32, #tpu.memory_space<vmem>> -> memref<128xi32, #tpu.memory_space<vmem>>
        %dma_wait3A_33 = arith.constant 0 : i32
        %dma_wait3A_34 = arith.constant 0 : i32
        %dma_wait3A_35 = tpu.memref_slice %arg11[%dma_wait3A_33, %dma_wait3A_34] : memref<10112x32xf32, #tpu.memory_space<vmem_shared>> -> memref<10112x32xf32, #tpu.memory_space<vmem_shared>>
        tpu.wait_indirect_dma semaphore(%run_scoped3A : memref<!tpu.dma_semaphore, #tpu.memory_space<semaphore_mem>>) src(%arg10 : memref<128x32xf32, #tpu.memory_space<vmem>>) dst(%dma_wait3A_35 : memref<10112x32xf32, #tpu.memory_space<vmem_shared>>)
        tpu.yield
      }) : () -> ()
    }
    %scan3A_7 = arith.constant 40 : i32
    %barrier3A_8 = arith.constant 0 : index
    tpu.barrier barrier_id(%barrier3A_8)
    "tpu.region"() ({
      %run_scoped3A = tpu.sem_alloc : memref<!tpu.dma_semaphore, #tpu.memory_space<semaphore_mem>>
      %dma_start3A = arith.constant 0 : i32
      %dma_start3A_9 = tpu.memref_slice %arg6[%arg0, %mul3A_2, %dma_start3A] : memref<2x10112x32xf32, #tpu.memory_space<hbm>> -> memref<1x632x32xf32, #tpu.memory_space<hbm>>
      %dma_start3A_10 = tpu.memref_squeeze %dma_start3A_9 : memref<1x632x32xf32, #tpu.memory_space<hbm>> -> memref<632x32xf32, #tpu.memory_space<hbm>>
      %dma_start3A_11 = arith.constant 0 : i32
      %dma_start3A_12 = tpu.memref_slice %arg11[%mul3A_2, %dma_start3A_11] : memref<10112x32xf32, #tpu.memory_space<vmem_shared>> -> memref<632x32xf32, #tpu.memory_space<vmem_shared>>
      tpu.enqueue_dma source(%dma_start3A_12 : memref<632x32xf32, #tpu.memory_space<vmem_shared>>) target(%dma_start3A_10 : memref<632x32xf32, #tpu.memory_space<hbm>>) target_semaphore(%run_scoped3A : memref<!tpu.dma_semaphore, #tpu.memory_space<semaphore_mem>>)
      %dma_wait3A = arith.constant 0 : i32
      %dma_wait3A_13 = tpu.memref_slice %arg6[%arg0, %mul3A_2, %dma_wait3A] : memref<2x10112x32xf32, #tpu.memory_space<hbm>> -> memref<1x632x32xf32, #tpu.memory_space<hbm>>
      %dma_wait3A_14 = tpu.memref_squeeze %dma_wait3A_13 : memref<1x632x32xf32, #tpu.memory_space<hbm>> -> memref<632x32xf32, #tpu.memory_space<hbm>>
      %dma_wait3A_15 = arith.constant 0 : i32
      %dma_wait3A_16 = tpu.memref_slice %arg11[%mul3A_2, %dma_wait3A_15] : memref<10112x32xf32, #tpu.memory_space<vmem_shared>> -> memref<632x32xf32, #tpu.memory_space<vmem_shared>>
      tpu.wait_dma2 semaphore(%run_scoped3A : memref<!tpu.dma_semaphore, #tpu.memory_space<semaphore_mem>>) src(%dma_wait3A_16 : memref<632x32xf32, #tpu.memory_space<vmem_shared>>) dst(%dma_wait3A_14 : memref<632x32xf32, #tpu.memory_space<hbm>>)
      tpu.yield
    }) : () -> ()
    return
  }
}

module attributes {stable_mosaic.version = 14 : i64} {
  func.func @body(%arg0: memref<2x10112x16xf32, #tpu.memory_space<vmem>>, %arg1: memref<10112x128xf32, #tpu.memory_space<vmem>>, %arg2: memref<128x64xf32, #tpu.memory_space<vmem>>, %arg3: memref<10112x1xf32, #tpu.memory_space<vmem>>, %arg4: memref<10112x64xf32, #tpu.memory_space<vmem>>) attributes {dimension_semantics = [], scalar_prefetch = 0 : i64, scratch_operands = 0 : i64, tpu.core_type = #tpu.core_type<tc>} {
    %get3A = arith.constant 0 : index
    %get3A_0 = arith.constant 0 : index
    %get3A_1 = arith.constant 0 : index
    %get3A_2 = vector.load %arg0[%get3A, %get3A_0, %get3A_1] : memref<2x10112x16xf32, #tpu.memory_space<vmem>>, vector<1x10112x1xf32>
    %get3A_3 = vector.shape_cast %get3A_2 : vector<1x10112x1xf32> to vector<10112xf32>
    %get3A_4 = arith.constant 1 : index
    %get3A_5 = arith.constant 0 : index
    %get3A_6 = arith.constant 0 : index
    %get3A_7 = vector.load %arg0[%get3A_4, %get3A_5, %get3A_6] : memref<2x10112x16xf32, #tpu.memory_space<vmem>>, vector<1x10112x1xf32>
    %get3A_8 = vector.shape_cast %get3A_7 : vector<1x10112x1xf32> to vector<10112xf32>
    %add3A = arith.addf %get3A_3, %get3A_8 : vector<10112xf32>
    %add3A_9 = arith.constant 1.000000e+00 : f32
    %add3A_10 = vector.broadcast %add3A_9 : f32 to vector<10112xf32>
    %add3A_11 = arith.addf %add3A, %add3A_10 : vector<10112xf32>
    %rsqrt3A = math.rsqrt %add3A_11 : vector<10112xf32>
    %broadcast_in_dim3A = vector.shape_cast %rsqrt3A : vector<10112xf32> to vector<10112x1xf32>
    %swap3A = arith.constant 0 : index
    %swap3A_12 = arith.constant 0 : index
    %swap3A_13 = vector.load %arg3[%swap3A, %swap3A_12] : memref<10112x1xf32, #tpu.memory_space<vmem>>, vector<10112x1xf32>
    tpu.vector_store %arg3[%swap3A, %swap3A_12], %broadcast_in_dim3A {strides = array<i32>} : memref<10112x1xf32, #tpu.memory_space<vmem>>, vector<10112x1xf32>,
    %get3A_14 = arith.constant 0 : index
    %get3A_15 = arith.constant 0 : index
    %get3A_16 = vector.load %arg1[%get3A_14, %get3A_15] : memref<10112x128xf32, #tpu.memory_space<vmem>>, vector<10112x128xf32>
    %get3A_17 = arith.constant 0 : index
    %get3A_18 = arith.constant 0 : index
    %get3A_19 = vector.load %arg2[%get3A_17, %get3A_18] : memref<128x64xf32, #tpu.memory_space<vmem>>, vector<128x64xf32>
    %dot_general3A = arith.constant dense<0.000000e+00> : vector<10112x64xf32>
    %dot_general3A_20 = tpu.matmul %get3A_16, %get3A_19, %dot_general3A {dimension_numbers = #tpu.dot_dimension_numbers<[1], [0], [0], [1], [0, 0, 1, 1], [], []>, transpose_lhs_hint = false} : vector<10112x128xf32>, vector<128x64xf32>, vector<10112x64xf32> -> vector<10112x64xf32>
    %broadcast_in_dim3A_21 = vector.shape_cast %rsqrt3A : vector<10112xf32> to vector<10112x1xf32>
    %mul3A = vector.broadcast %broadcast_in_dim3A_21 : vector<10112x1xf32> to vector<10112x64xf32>
    %mul3A_22 = arith.mulf %dot_general3A_20, %mul3A : vector<10112x64xf32>
    %swap3A_23 = arith.constant 0 : index
    %swap3A_24 = arith.constant 0 : index
    %swap3A_25 = vector.load %arg4[%swap3A_23, %swap3A_24] : memref<10112x64xf32, #tpu.memory_space<vmem>>, vector<10112x64xf32>
    tpu.vector_store %arg4[%swap3A_23, %swap3A_24], %mul3A_22 {strides = array<i32>} : memref<10112x64xf32, #tpu.memory_space<vmem>>, vector<10112x64xf32>,
    return
  }
}

module attributes {stable_mosaic.version = 14 : i64} {
  func.func @body(%arg0: memref<2x10112x64xf32, #tpu.memory_space<vmem>>, %arg1: memref<10112x64xf32, #tpu.memory_space<vmem>>, %arg2: memref<10112x1xf32, #tpu.memory_space<vmem>>, %arg3: memref<1x64xf32, #tpu.memory_space<vmem>>, %arg4: memref<64x32xf32, #tpu.memory_space<vmem>>, %arg5: memref<10112x32xf32, #tpu.memory_space<vmem>>) attributes {dimension_semantics = [], scalar_prefetch = 0 : i64, scratch_operands = 0 : i64, tpu.core_type = #tpu.core_type<tc>} {
    %get3A = arith.constant 0 : index
    %get3A_0 = arith.constant 0 : index
    %get3A_1 = vector.load %arg2[%get3A, %get3A_0] : memref<10112x1xf32, #tpu.memory_space<vmem>>, vector<10112x1xf32>
    %get3A_2 = arith.constant 0 : index
    %get3A_3 = arith.constant 0 : index
    %get3A_4 = arith.constant 0 : index
    %get3A_5 = vector.load %arg0[%get3A_2, %get3A_3, %get3A_4] : memref<2x10112x64xf32, #tpu.memory_space<vmem>>, vector<1x10112x64xf32>
    %get3A_6 = vector.shape_cast %get3A_5 : vector<1x10112x64xf32> to vector<10112x64xf32>
    %get3A_7 = arith.constant 1 : index
    %get3A_8 = arith.constant 0 : index
    %get3A_9 = arith.constant 0 : index
    %get3A_10 = vector.load %arg0[%get3A_7, %get3A_8, %get3A_9] : memref<2x10112x64xf32, #tpu.memory_space<vmem>>, vector<1x10112x64xf32>
    %get3A_11 = vector.shape_cast %get3A_10 : vector<1x10112x64xf32> to vector<10112x64xf32>
    %add3A = arith.addf %get3A_6, %get3A_11 : vector<10112x64xf32>
    %get3A_12 = arith.constant 0 : index
    %get3A_13 = arith.constant 0 : index
    %get3A_14 = vector.load %arg1[%get3A_12, %get3A_13] : memref<10112x64xf32, #tpu.memory_space<vmem>>, vector<10112x64xf32>
    %add3A_15 = arith.addf %add3A, %get3A_14 : vector<10112x64xf32>
    %mul3A = vector.broadcast %get3A_1 : vector<10112x1xf32> to vector<10112x64xf32>
    %mul3A_16 = arith.mulf %add3A_15, %mul3A : vector<10112x64xf32>
    %get3A_17 = arith.constant 0 : index
    %get3A_18 = arith.constant 0 : index
    %get3A_19 = vector.load %arg3[%get3A_17, %get3A_18] : memref<1x64xf32, #tpu.memory_space<vmem>>, vector<1x64xf32>
    %add3A_20 = vector.broadcast %get3A_19 : vector<1x64xf32> to vector<10112x64xf32>
    %add3A_21 = arith.addf %mul3A_16, %add3A_20 : vector<10112x64xf32>
    %max3A = arith.constant 0.000000e+00 : f32
    %max3A_22 = vector.broadcast %max3A : f32 to vector<10112x64xf32>
    %max3A_23 = arith.maximumf %add3A_21, %max3A_22 : vector<10112x64xf32>
    %get3A_24 = arith.constant 0 : index
    %get3A_25 = arith.constant 0 : index
    %get3A_26 = vector.load %arg4[%get3A_24, %get3A_25] : memref<64x32xf32, #tpu.memory_space<vmem>>, vector<64x32xf32>
    %dot_general3A = arith.constant dense<0.000000e+00> : vector<10112x32xf32>
    %dot_general3A_27 = tpu.matmul %max3A_23, %get3A_26, %dot_general3A {dimension_numbers = #tpu.dot_dimension_numbers<[1], [0], [0], [1], [0, 0, 1, 1], [], []>, transpose_lhs_hint = false} : vector<10112x64xf32>, vector<64x32xf32>, vector<10112x32xf32> -> vector<10112x32xf32>
    %mul3A_28 = vector.broadcast %get3A_1 : vector<10112x1xf32> to vector<10112x32xf32>
    %mul3A_29 = arith.mulf %dot_general3A_27, %mul3A_28 : vector<10112x32xf32>
    %swap3A = arith.constant 0 : index
    %swap3A_30 = arith.constant 0 : index
    %swap3A_31 = vector.load %arg5[%swap3A, %swap3A_30] : memref<10112x32xf32, #tpu.memory_space<vmem>>, vector<10112x32xf32>
    tpu.vector_store %arg5[%swap3A, %swap3A_30], %mul3A_29 {strides = array<i32>} : memref<10112x32xf32, #tpu.memory_space<vmem>>, vector<10112x32xf32>,
    return
  }
}

module attributes {stable_mosaic.version = 14 : i64} {
  func.func @body(%arg0: memref<2x10112x32xf32, #tpu.memory_space<vmem>>, %arg1: memref<10112x32xf32, #tpu.memory_space<vmem>>, %arg2: memref<10112x1xf32, #tpu.memory_space<vmem>>, %arg3: memref<1x32xf32, #tpu.memory_space<vmem>>, %arg4: memref<32x1xf32, #tpu.memory_space<vmem>>, %arg5: memref<1x1xf32, #tpu.memory_space<vmem>>, %arg6: memref<10112x1xf32, #tpu.memory_space<vmem>>) attributes {dimension_semantics = [], scalar_prefetch = 0 : i64, scratch_operands = 0 : i64, tpu.core_type = #tpu.core_type<tc>} {
    %get3A = arith.constant 0 : index
    %get3A_0 = arith.constant 0 : index
    %get3A_1 = vector.load %arg2[%get3A, %get3A_0] : memref<10112x1xf32, #tpu.memory_space<vmem>>, vector<10112x1xf32>
    %get3A_2 = arith.constant 0 : index
    %get3A_3 = arith.constant 0 : index
    %get3A_4 = arith.constant 0 : index
    %get3A_5 = vector.load %arg0[%get3A_2, %get3A_3, %get3A_4] : memref<2x10112x32xf32, #tpu.memory_space<vmem>>, vector<1x10112x32xf32>
    %get3A_6 = vector.shape_cast %get3A_5 : vector<1x10112x32xf32> to vector<10112x32xf32>
    %get3A_7 = arith.constant 1 : index
    %get3A_8 = arith.constant 0 : index
    %get3A_9 = arith.constant 0 : index
    %get3A_10 = vector.load %arg0[%get3A_7, %get3A_8, %get3A_9] : memref<2x10112x32xf32, #tpu.memory_space<vmem>>, vector<1x10112x32xf32>
    %get3A_11 = vector.shape_cast %get3A_10 : vector<1x10112x32xf32> to vector<10112x32xf32>
    %add3A = arith.addf %get3A_6, %get3A_11 : vector<10112x32xf32>
    %get3A_12 = arith.constant 0 : index
    %get3A_13 = arith.constant 0 : index
    %get3A_14 = vector.load %arg1[%get3A_12, %get3A_13] : memref<10112x32xf32, #tpu.memory_space<vmem>>, vector<10112x32xf32>
    %add3A_15 = arith.addf %add3A, %get3A_14 : vector<10112x32xf32>
    %mul3A = vector.broadcast %get3A_1 : vector<10112x1xf32> to vector<10112x32xf32>
    %mul3A_16 = arith.mulf %add3A_15, %mul3A : vector<10112x32xf32>
    %get3A_17 = arith.constant 0 : index
    %get3A_18 = arith.constant 0 : index
    %get3A_19 = vector.load %arg3[%get3A_17, %get3A_18] : memref<1x32xf32, #tpu.memory_space<vmem>>, vector<1x32xf32>
    %add3A_20 = vector.broadcast %get3A_19 : vector<1x32xf32> to vector<10112x32xf32>
    %add3A_21 = arith.addf %mul3A_16, %add3A_20 : vector<10112x32xf32>
    %max3A = arith.constant 0.000000e+00 : f32
    %max3A_22 = vector.broadcast %max3A : f32 to vector<10112x32xf32>
    %max3A_23 = arith.maximumf %add3A_21, %max3A_22 : vector<10112x32xf32>
    %get3A_24 = arith.constant 0 : index
    %get3A_25 = arith.constant 0 : index
    %get3A_26 = vector.load %arg4[%get3A_24, %get3A_25] : memref<32x1xf32, #tpu.memory_space<vmem>>, vector<32x1xf32>
    %dot_general3A = arith.constant dense<0.000000e+00> : vector<10112x1xf32>
    %dot_general3A_27 = tpu.matmul %max3A_23, %get3A_26, %dot_general3A {dimension_numbers = #tpu.dot_dimension_numbers<[1], [0], [0], [1], [0, 0, 1, 1], [], []>, transpose_lhs_hint = false} : vector<10112x32xf32>, vector<32x1xf32>, vector<10112x1xf32> -> vector<10112x1xf32>
    %get3A_28 = arith.constant 0 : index
    %get3A_29 = arith.constant 0 : index
    %get3A_30 = vector.load %arg5[%get3A_28, %get3A_29] : memref<1x1xf32, #tpu.memory_space<vmem>>, vector<1x1xf32>
    %add3A_31 = vector.broadcast %get3A_30 : vector<1x1xf32> to vector<10112x1xf32>
    %add3A_32 = arith.addf %dot_general3A_27, %add3A_31 : vector<10112x1xf32>
    %swap3A = arith.constant 0 : index
    %swap3A_33 = arith.constant 0 : index
    %swap3A_34 = vector.load %arg6[%swap3A, %swap3A_33] : memref<10112x1xf32, #tpu.memory_space<vmem>>, vector<10112x1xf32>
    tpu.vector_store %arg6[%swap3A, %swap3A_33], %add3A_32 {strides = array<i32>} : memref<10112x1xf32, #tpu.memory_space<vmem>>, vector<10112x1xf32>,
    return
  }
}

</mosaic_0001>

<sc_bundles>
// kernel: kernel.11.cloned.1.call-start
scs
__scs_entry_jumppad:
0x0: {  	(pc) =	sbr.rel $0x88, $3  }
0x1: {  	(tag) =	ssettag $0x0;
	lr =	simm.s32 $0x1  }
0x2: {  	[smem:$0x3F99] =	sst lr;
	_ =	strace $0xD0000000  }
0x3: {  	_ = 	snop  }
0x4: {  	_ = 	snop  }
0x5: {  	_ = 	snop  }
0x6: {  	_ = 	snop  }
0x7: {  	_ = 	snop  }
__scs_overlays_trampoline_lowered:
0x8: {  	[smem:$0x3FA8] =	sst s0  }
0x9: {  	[smem:$0x3FA9] =	sst s1  }
0xa: {  	[smem:$0x3FAA] =	sst s2  }
0xb: {  	[smem:$0x3FAB] =	sst s3  }
0xc: {  	[smem:$0x3FAC] =	sst s4  }
0xd: {  	[smem:$0x3FAD] =	sst s5  }
0xe: {  	[smem:$0x3FAE] =	sst s6  }
0xf: {  	[smem:$0x3FAF] =	sst s7  }
0x10: {  	[smem:$0x3FB0] =	sst s8  }
0x11: {  	[smem:$0x3FB1] =	sst s9;
	s0 =	simm.s32 @!p0 $0x0  }
0x12: {  	s1 =	sld [smem:$0x3F97];
	s0 =	simm.s32 @p0 $0x1  }
0x13: {  	[smem:$0x3FB2] =	sst s0;
	s0 =	simm.s32 @!p1 $0x0  }
0x14: {  	s2 =	sld [smem:$0x3F96];
	s0 =	simm.s32 @p1 $0x1  }
0x15: {  	[smem:$0x3FB3] =	sst s0;
	s0 =	simm.s32 @!p2 $0x0  }
0x16: {  	s3 =	sld [smem:$0x3FDB];
	s0 =	simm.s32 @p2 $0x1  }
0x17: {  	s4 =	simm.s32 $0x1BF5;
	[smem:$0x3FB5] =	sst s0  }
0x18: {  	s0 =	sld [smem:$0x3F98];
	_ =	swait.ge [sflag:s4], $0x0  }
0x19: {  	s7 =	sld [smem:$0x3F99]  }
0x1a: {  	s8 =	sadd.s32 $0xFFFFE003, lr  }
0x1b: {  	s9 =	sadd.s32 $0xFFFFFEF7, lr;
	s5 =	simm.s32 $0xFFFFFFFF;
	p2 =	slt.u32 s8, $0xFFFFF086  }
0x1c: {  	p1 =	slt.u32 s9, $0xF7A;
	s5 =	simm.s32 @!p2 $0x0  }
0x1d: {  	s5 =	simm.s32 @p1 $0x1;
	p0 =	seq.s32 s7, s2  }
0x1e: {  	s7 =	smul.u32 @!p0 $0xF7A, s2;
	p2 =	seq.s32 @!p0 s5, $0x0  }
0x1f: {  	s9 =	smul.u32 $0xF7A, s1;
	s8 =	simm.s32 @!p0 $0x1BF5;
	p2 =	por !p2, p0  }
0x20: {  	[sflag:s8] =	ssyncset.s32 @!p0 $0xFFFFF086;
	s6 =	sadd.s32 @!p0 s3, s7;
	s7 =	simm.s32 @!p0 $0x108  }
0x21: {  	s3 =	sadd.s32 s3, s9;
	s6 =	sadd.s32 @!p0 $0x88, s6;
	s7 =	simm.s32 @p2 $0x1082  }
0x22: {  	[simem:s7], [sflag:s8] =	dma.local @!p0 [hbm:s6], $0xF7A  }
0x23: {  	s9 =	sor.u32 $0xD0000000, s2;
	s6 =	simm.s32 $0x108;
	_ =	swait.ge @!p0 [sflag:s8], $0x0  }
0x24: {  	s3 =	sadd.s32 $0x88, s3;
	s6 =	simm.s32 @!p1 $0x1082;
	[sflag:s4] =	ssyncset.s32 $0xFFFFF086  }
0x25: {  	[simem:s6], [sflag:s4] =	dma.local [hbm:s3], $0xF7A  }
0x26: {  	[smem:$0x3F99] =	sst s1;
	(tag) =	ssettag s2;
	_ =	strace s9  }
0x27: {  	s1 =	sld [smem:$0x3FA9]  }
0x28: {  	s2 =	sld [smem:$0x3FAA]  }
0x29: {  	s4 =	sld [smem:$0x3FAC]  }
0x2a: {  	p0 =	seq.s32 s5, $0x0;
	s5 =	sld [smem:$0x3FAD]  }
0x2b: {  	s6 =	sld [smem:$0x3FAE]  }
0x2c: {  	s7 =	sld [smem:$0x3FAF]  }
0x2d: {  	s3 =	simm.s32 $0x108;
	s8 =	sld [smem:$0x3FB0]  }
0x2e: {  	s3 =	simm.s32 @!p0 $0x1082;
	s9 =	sld [smem:$0x3FB1]  }
0x2f: {  	lr =	sadd.s32 s0, s3;
	s0 =	sld [smem:$0x3FA8]  }
0x30: {  	s3 =	sld [smem:$0x3FAB]  }
0x31: {  	[smem:$0x3FB4] =	sst s10  }
0x32: {  	s10 =	sld [smem:$0x3FB2];
	_ =	sdelay $0x3  }
0x33: {  	p0 =	seq.s32 s10, $0x1;
	s10 =	sld [smem:$0x3FB4];
	_ =	sdelay $0x3  }
0x34: {  	[smem:$0x3FB4] =	sst s10  }
0x35: {  	s10 =	sld [smem:$0x3FB3];
	_ =	sdelay $0x3  }
0x36: {  	p1 =	seq.s32 s10, $0x1;
	s10 =	sld [smem:$0x3FB4];
	_ =	sdelay $0x3  }
0x37: {  	[smem:$0x3FB4] =	sst s10  }
0x38: {  	s10 =	sld [smem:$0x3FB5]  }
0x39: {  	_ = 	snop;
	(pc) =	sbr.ind lr, $3  }
0x3a: {  	_ = 	snop  }
0x3b: {  	_ = 	snop  }
0x3c: {  	p2 =	seq.s32 s10, $0x1;
	s10 =	sld [smem:$0x3FB4]  }
0x3d: {  	_ =	shalt  }
0x3e: {  	_ =	shalt  }
0x3f: {  	_ =	shalt  }
0x40: {  	_ =	shalt  }
0x41: {  	_ =	shalt  }
0x42: {  	_ =	shalt  }
0x43: {  	_ =	shalt  }
0x44: {  	_ =	shalt  }
0x45: {  	_ =	shalt  }
0x46: {  	_ =	shalt  }
0x47: {  	_ =	shalt  }
0x48: {  	_ =	shalt  }
0x49: {  	_ =	shalt  }
0x4a: {  	_ =	shalt  }
0x4b: {  	_ =	shalt  }
0x4c: {  	_ =	shalt  }
0x4d: {  	_ =	shalt  }
0x4e: {  	_ =	shalt  }
0x4f: {  	_ =	shalt  }
0x50: {  	_ =	shalt  }
0x51: {  	_ =	shalt  }
0x52: {  	_ =	shalt  }
0x53: {  	_ =	shalt  }
0x54: {  	_ =	shalt  }
0x55: {  	_ =	shalt  }
0x56: {  	_ =	shalt  }
0x57: {  	_ =	shalt  }
0x58: {  	_ =	shalt  }
0x59: {  	_ =	shalt  }
0x5a: {  	_ =	shalt  }
0x5b: {  	_ =	shalt  }
0x5c: {  	_ =	shalt  }
0x5d: {  	_ =	shalt  }
0x5e: {  	_ =	shalt  }
0x5f: {  	_ =	shalt  }
0x60: {  	_ =	shalt  }
0x61: {  	_ =	shalt  }
0x62: {  	_ =	shalt  }
0x63: {  	_ =	shalt  }
0x64: {  	_ =	shalt  }
0x65: {  	_ =	shalt  }
0x66: {  	_ =	shalt  }
0x67: {  	_ =	shalt  }
0x68: {  	_ =	shalt  }
0x69: {  	_ =	shalt  }
0x6a: {  	_ =	shalt  }
0x6b: {  	_ =	shalt  }
0x6c: {  	_ =	shalt  }
0x6d: {  	_ =	shalt  }
0x6e: {  	_ =	shalt  }
0x6f: {  	_ =	shalt  }
0x70: {  	_ =	shalt  }
0x71: {  	_ =	shalt  }
0x72: {  	_ =	shalt  }
0x73: {  	_ =	shalt  }
0x74: {  	_ =	shalt  }
0x75: {  	_ =	shalt  }
0x76: {  	_ =	shalt  }
0x77: {  	_ =	shalt  }
0x78: {  	_ =	shalt  }
0x79: {  	_ =	shalt  }
0x7a: {  	_ =	shalt  }
0x7b: {  	_ =	shalt  }
0x7c: {  	_ =	shalt  }
0x7d: {  	_ =	shalt  }
0x7e: {  	_ =	shalt  }
0x7f: {  	_ =	shalt  }
0x80: {  	_ =	shalt  }
0x81: {  	_ =	shalt  }
0x82: {  	_ =	shalt  }
0x83: {  	_ =	shalt  }
0x84: {  	_ =	shalt  }
0x85: {  	_ =	shalt  }
0x86: {  	_ =	shalt  }
0x87: {  	_ =	shalt  }
.Lfunc_end0:
.L_simem_size_0:
called_computation.1_lowered:
.L_overlay_start_0:
0x88: {  	s2 =	sld [smem:$0x3FD9]  }
0x89: {  	s3 =	sld [smem:$0x3FFE];
	_ =	sdelay $0x1  }
0x8a: {  	s1 =	srdreg.scid  }
0x8b: {  	s0 =	sand.u32 $0x1, s1  }
0x8c: {  	s16 =	sshll.u32 s0, $0xA;
	s2 =	sadd.s32 s3, s2  }
0x8d: {  	s2 =	sadd.s32 s2, s16  }
0x8e: {  	[smem:$0x3FC0] =	sst s2  }
0x8f: {  	_ = 	snop  }
0x90: {  	(tm) =	ssettm $0x1  }
0x91: {  	s17 =	sld [smem:$0x3FFB];
	_ =	sdelay $0x3  }
0x92: {  	_ =	strace s17  }
0x93: {  	s2 =	sld [smem:$0x3FFC];
	_ =	sdelay $0x3  }
0x94: {  	_ =	strace s2  }
0x95: {  	s2 =	sld [smem:$0x3FFD];
	_ =	sdelay $0x3  }
0x96: {  	_ =	strace s2  }
0x97: {  	_ =	strace $0x8FFFFFFF  }
0x98: {  	s18 =	sld [smem:$0x3FDB];
	_ =	sdelay $0x1  }
0x99: {  	s19 =	simm.s32 $_scs_section_size  }
0x9a: {  	s4 =	simm.s32 $_size__tile_overlayer_lowered;
	s5 =	simm.s32 $_tile_overlayer_lowered  }
0x9b: {  	s22 =	simm.s32 $0x1BFF;
	s21 =	sshll.u32 s5, $0x1;
	s2 =	sadd.s32 s19, s18  }
0x9c: {  	s6 =	simm.s32 $0x0;
	s20 =	sshll.u32 s4, $0x1;
	s4 =	sadd.s32 s21, s2  }
0x9d: {  	[timem:s6], [sflag:s22] =	dma.local [hbm:s4], s20  }
0x9e: {  	_ =	swait.ge [sflag:s22], s20  }
0x9f: {  	s3 =	ssub.s32 $0x0, s20;
	[sflag:s22] =	ssyncset.done $0x0  }
0xa0: {  	[sflag:s22] =	ssyncadd.s32 s3;
	_ =	sdelay $0x1  }
0xa1: {  	s23 =	simm.s32 $0x1B8B  }
0xa2: {  	_ =	swait.ge [sflag:s23], $0x1  }
0xa3: {  	[sflag:s23] =	ssyncset.done $0x0  }
0xa4: {  	s25 =	simm.s32 $0x1B8E;
	s24 =	sld [smem:$0x3FFE];
	[sflag:s23] =	ssyncadd.s32 $0xFFFFFFFF  }
0xa5: {  	s26 =	simm.s32 $execute0_lowered;
	[smem:$0x3FD2] =	sst s25  }
0xa6: {  	s4 =	sshll.u32 s26, $0x1;
	_ =	strace $0x80000049;
	[dreg:$0x1] =	wrdreg $0xFFFFFFFF  }
0xa7: {  	s28 =	simm.s32 $_size_execute0_lowered;
	s2 =	sadd.s32 s2, s4;
	[dreg:$0x0] =	wrdreg $0x0  }
0xa8: {  	s4 =	sshll.u32 s28, $0x1;
	[dreg:$0x2] =	wrdreg s2  }
0xa9: {  	[dreg:$0x3] =	wrdreg s4  }
0xaa: {  	[dreg:$0x4] =	wrdreg $0xC0  }
0xab: {  	_ =	task [dreg:s6], $0x5FFFF  }
0xac: {  	[dreg:$0x1] =	wrdreg $0xFFFFFFFF  }
0xad: {  	[dreg:$0x0] =	wrdreg $0x60  }
0xae: {  	[dreg:$0x2] =	wrdreg s24  }
0xaf: {  	[dreg:$0x3] =	wrdreg $0x90000  }
0xb0: {  	[dreg:$0x4] =	wrdreg $0x12E000  }
0xb1: {  	[dreg:$0x5] =	wrdreg $0x9  }
0xb2: {  	_ =	task.clear_ibuf [dreg:s6], $0x6FFFF;
	_ =	strace $0x90000049  }
0xb3: {  	s29 =	simm.s32 $0x9;
	_ =	strace $0x8000004B  }
0xb4: {  	_ =	swait.ge [sflag:s29], $0x1  }
0xb5: {  	[sflag:s29] =	ssyncadd.s32 $0xFFFFFFFF  }
0xb6: {  	_ =	strace $0x9000004B  }
0xb7: {  	_ =	sfence  }
0xb8: {  	s30 =	sld [smem:$0x0];
	_ =	sdelay $0x2  }
0xb9: {  	s31 =	sshll.u32 s1, $0xD;
	s1 =	sshrl.u32 s1, $0x2  }
0xba: {  	s3 =	sand.u32 $0x4000, s31;
	s1 =	sadd.s32 s1, s30  }
0xbb: {  	s0 =	sor.u32 s3, s0;
	s1 =	sshll.u32 s1, $0x11  }
0xbc: {  	s0 =	sor.u32 s1, s0  }
0xbd: {  	s0 =	sadd.s32 $0x8F2B, s0  }
0xbe: {  	[sflag:s0] =	ssyncadd.remote.s32 $0x1  }
0xbf: {  	_ =	sfence.sel $0xFFFF  }
0xc0: {  	[dreg:$0x0] =	wrdreg $0xFFFFFFFF;
	(pc) =	sbr.abs _section_cstart, $3  }
0xc1: {  	[dreg:$0x1] =	wrdreg $0xFFFFFFFF  }
0xc2: {  	_ =	task.clear_ibuf [dreg:s6], $0x2FFFF;
	_ =	strace $0x9FFFFFFF  }
0xc3: {  	(tm) =	ssettm $0x7FFFFFFF  }
tec
execute0_lowered:
.L_overlay_start_1:
0x0: {  	(tag) =	ssettag $0x1  }
0x1: {  	s5 =	rddreg [dreg:$0x0]  }
0x2: {  	s2 =	rddreg [dreg:$0x1]  }
0x3: {  	s3 =	rddreg [dreg:$0x2]  }
0x4: {  	s0 =	rddreg [dreg:$0x3]  }
0x5: {  	s4 =	simm.s32 $0x0;
	s1 =	stileid.u32;
	s6 =	srdreg.scid  }
0x6: {  	s12 =	simm.s32 $0x2800;
	s16 =	simm.s32 $0x80;
	s17 =	simm.s32 $0x5000  }
0x7: {  	s18 =	simm.s32 $0x7000;
	s19 =	simm.s32 $0x1;
	s20 =	simm.s32 $0x0  }
0x8: {  	s8 =	smul.u32 $0x9E00, s1;
	s6 =	sand.u32 $0x1, s6;
	s7 =	sshll.u32 s1, $0x1  }
0x9: {  	[smem:$0x7FF] =	sst s4;
	s13 =	sshll.u32 s1, $0x6;
	s7 =	sor.u32 s6, s7  }
0xa: {  	s9 =	smul.u32 $0x9E000, s6;
	_ =	strace $0x8000004A;
	s6 =	ssub.s32 $0x2, s6  }
0xb: {  	s13 =	sor.u32 $0x1C02, s13;
	s10 =	sshrl.u32 s8, $0x3;
	s7 =	smul.u32 $0x500, s7  }
0xc: {  	s11 =	sshrl.u32 s6, $0x1;
	s14 =	sadd.s32 s8, s2;
	s15 =	sadd.s32 s8, s3  }
0xd: {  	s10 =	sadd.s32 s10, s5;
	s9 =	sadd.s32 s8, s9;
	s11 =	ssub.s32 s6, s11  }
0xe: {  	s14 =	sshrl.u32 s14, $0x3;
	s15 =	sshrl.u32 s15, $0x3;
	s9 =	sshrl.u32 s9, $0x3  }
0xf: {  	s7 =	sadd.s32 s7, s5;
	s8 =	sadd.s32 $0x24600, s10;
	s9 =	sadd.s32 s9, s5  }
0x10: {  	s5 =	sadd.s32 $0x1A600, s7;
	s6 =	sadd.s32 $0x1800, s7;
	s7 =	sadd.s32 $0x38200, s10  }
0x11: {  	s10 =	smax.u32 s11, $0x1;
	s11 =	simm.s32 $0x2;
	s9 =	sadd.s32 $0x4BE00, s9  }
.LBB2_1:
0x12: {  	[tilespmem:s4], [sflag:$0x2] =	stream.linear.gather [hbm4b:s5+s4], $0x2800, $0x38;
	[tilespmem:$0x1CC00] =	vst v63  }
0x13: {  	_ =	swait.ge [sflag:s11], $0x2800  }
0x14: {  	[sflag:s11] =	ssyncset.done $0x0  }
0x15: {  	[sflag:s11] =	ssyncadd.s32 $0xFFFFD800  }
0x16: {  	[tilespmem:s12], [sflag:$0x2] =	stream.linear.gather [hbm4b:s6+s4], $0x2800, $0x38;
	[tilespmem:$0x1CC00] =	vst v63  }
0x17: {  	_ =	swait.ge [sflag:s11], $0x2800  }
0x18: {  	[sflag:s11] =	ssyncset.done $0x0  }
0x19: {  	[sflag:s11] =	ssyncadd.s32 $0xFFFFD800  }
0x1a: {  	[spmem:s14], [sflag:s13] =	dma.local [hbm:s7], $0x13C0  }
0x1b: {  	_ =	swait.ge [sflag:s11], $0x13C0  }
0x1c: {  	[sflag:s11] =	ssyncset.done $0x0  }
0x1d: {  	[sflag:s11] =	ssyncadd.s32 $0xFFFFEC40  }
0x1e: {  	[spmem:s15], [sflag:s13] =	dma.local [hbm:s8], $0x13C0  }
0x1f: {  	_ =	swait.ge [sflag:s11], $0x13C0  }
0x20: {  	[sflag:s11] =	ssyncset.done $0x0  }
0x21: {  	[sflag:s11] =	ssyncadd.s32 $0xFFFFEC40  }
0x22: {  	s21 =	simm.s32 $0x0;
	[bflag:$0x0] =	sbarrier.arrive $0xFFFF  }
0x23: {  	[tilespmem:s17], [sflag:$0x2] =	stream.indirect.gather [spmem:s3], $0x40, s21, s16, $0xb8;
	[tilespmem:$0x1CC00] =	vst v63  }
0x24: {  	_ =	swait.ge [sflag:s11], $0x2000  }
0x25: {  	[sflag:s11] =	ssyncset.done $0x0  }
0x26: {  	s29 =	simm.s32 $0x80;
	[sflag:s11] =	ssyncadd.s32 $0xFFFFE000  }
0x27: {  	[tilespmem:s18], [sflag:$0x1] =	stream.indirect.gather [spmem:s3], $0x40, s29, s16, $0xb8;
	[tilespmem:$0x1CC00] =	vst v63  }
0x28: {  	s30 =	simm.s32 $0x2800  }
0x29: {  	[spmem:s2] =	stream.indirect.scatter.add.f32 [tilespmem:s17], [sflag:$0x2], $0x40, s30, s16, $0xb8;
	[tilespmem:$0x1CC00] =	vst v63  }
0x2a: {  	_ =	swait.ge [sflag:s11], $0x2000  }
0x2b: {  	[sflag:s11] =	ssyncset.done $0x0  }
0x2c: {  	[sflag:s11] =	ssyncadd.s32 $0xFFFFE000  }
0x2d: {  	_ =	swait.ge [sflag:s19], $0x2000  }
0x2e: {  	[sflag:s19] =	ssyncset.done $0x0  }
0x2f: {  	s31 =	simm.s32 $0x2880;
	[sflag:s19] =	ssyncadd.s32 $0xFFFFE000  }
0x30: {  	[spmem:s2] =	stream.indirect.scatter.add.f32 [tilespmem:s18], [sflag:$0x2], $0x40, s31, s16, $0xb8;
	[tilespmem:$0x1CC00] =	vst v63  }
0x31: {  	_ =	swait.ge [sflag:s11], $0x2000  }
0x32: {  	s22 =	simm.s32 $0x800;
	s21 =	simm.s32 $0x400;
	[sflag:s11] =	ssyncset.done $0x0  }
.LBB2_2:
0x33: {  	s23 =	sshra.s32 s21, $0x2  }
0x34: {  	[sflag:s11] =	ssyncadd.s32 $0xFFFFE000;
	s21 =	smov.u32 s22;
	s24 =	sadd.s32 $0x400, s22  }
0x35: {  	[tilespmem:s17], [sflag:$0x2] =	stream.indirect.gather [spmem:s3], $0x40, s23, s16, $0xb8;
	[tilespmem:$0x1CC00] =	vst v63  }
0x36: {  	p0 =	sne.s32 s22, $0x9C00;
	_ =	swait.ge [sflag:s11], $0x2000  }
0x37: {  	[sflag:s11] =	ssyncset.done $0x0  }
0x38: {  	s22 =	sadd.s32 $0x80, s23;
	[sflag:s11] =	ssyncadd.s32 $0xFFFFE000  }
0x39: {  	[tilespmem:s18], [sflag:$0x1] =	stream.indirect.gather [spmem:s3], $0x40, s22, s16, $0xb8;
	[tilespmem:$0x1CC00] =	vst v63  }
0x3a: {  	s22 =	sadd.s32 $0x2800, s23  }
0x3b: {  	[spmem:s2] =	stream.indirect.scatter.add.f32 [tilespmem:s17], [sflag:$0x2], $0x40, s22, s16, $0xb8;
	[tilespmem:$0x1CC00] =	vst v63  }
0x3c: {  	_ =	swait.ge [sflag:s11], $0x2000  }
0x3d: {  	[sflag:s11] =	ssyncset.done $0x0  }
0x3e: {  	[sflag:s11] =	ssyncadd.s32 $0xFFFFE000  }
0x3f: {  	_ =	swait.ge [sflag:s19], $0x2000  }
.Ltmp0:
0x40: {  	[sflag:s19] =	ssyncset.done $0x0;
	(pc) =	sbr.rel @p0 .LBB2_2-.Ltmp0, $4  }
0x41: {  	s22 =	sadd.s32 $0x2880, s23;
	[sflag:s19] =	ssyncadd.s32 $0xFFFFE000  }
0x42: {  	[spmem:s2] =	stream.indirect.scatter.add.f32 [tilespmem:s18], [sflag:$0x2], $0x40, s22, s16, $0xb8;
	[tilespmem:$0x1CC00] =	vst v63  }
0x43: {  	_ =	swait.ge [sflag:s11], $0x2000  }
0x44: {  	s22 =	smov.u32 s24;
	[sflag:s11] =	ssyncset.done $0x0  }
0x45: {  	s21 =	sshra.s32 s21, $0x2;
	[sflag:s11] =	ssyncadd.s32 $0xFFFFE000  }
0x46: {  	[tilespmem:s17], [sflag:$0x2] =	stream.indirect.gather [spmem:s3], $0x40, s21, s16, $0xb8;
	[tilespmem:$0x1CC00] =	vst v63  }
0x47: {  	_ =	swait.ge [sflag:s11], $0x2000  }
0x48: {  	[sflag:s11] =	ssyncset.done $0x0  }
0x49: {  	s22 =	sadd.s32 $0x80, s21;
	[sflag:s11] =	ssyncadd.s32 $0xFFFFE000  }
0x4a: {  	[tilespmem:s18], [sflag:$0x1] =	stream.indirect.gather [spmem:s3], $0x40, s22, s16, $0xb8;
	[tilespmem:$0x1CC00] =	vst v63  }
0x4b: {  	s31 =	sadd.s32 $0x2800, s21  }
0x4c: {  	[spmem:s2] =	stream.indirect.scatter.add.f32 [tilespmem:s17], [sflag:$0x2], $0x40, s31, s16, $0xb8;
	[tilespmem:$0x1CC00] =	vst v63  }
0x4d: {  	_ =	swait.ge [sflag:s11], $0x2000  }
0x4e: {  	[sflag:s11] =	ssyncset.done $0x0  }
0x4f: {  	[sflag:s11] =	ssyncadd.s32 $0xFFFFE000  }
0x50: {  	_ =	swait.ge [sflag:s19], $0x2000  }
0x51: {  	[sflag:s19] =	ssyncset.done $0x0  }
0x52: {  	s21 =	sadd.s32 $0x2880, s21;
	[sflag:s19] =	ssyncadd.s32 $0xFFFFE000  }
0x53: {  	[spmem:s2] =	stream.indirect.scatter.add.f32 [tilespmem:s18], [sflag:$0x2], $0x40, s21, s16, $0xb8;
	[tilespmem:$0x1CC00] =	vst v63  }
0x54: {  	_ =	swait.ge [sflag:s11], $0x2000  }
0x55: {  	s20 =	sadd.s32 $0x1, s20;
	[sflag:s11] =	ssyncset.done $0x0  }
0x56: {  	p0 =	sne.s32 s20, s10;
	[sflag:s11] =	ssyncadd.s32 $0xFFFFE000  }
.Ltmp1:
0x57: {  	[bflag:$0x0] =	sbarrier.arrive $0xFFFF;
	(pc) =	sbr.rel @p0 .LBB2_1-.Ltmp1, $4  }
0x58: {  	[hbm:s9], [sflag:s13] =	dma.local [spmem:s14], $0x13C0  }
0x59: {  	_ =	swait.ge [sflag:s11], $0x13C0  }
0x5a: {  	[sflag:s11] =	ssyncset.done $0x0  }
0x5b: {  	[sflag:s11] =	ssyncadd.s32 $0xFFFFEC40  }
0x5c: {  	_ =	sfence.sel $0x180000  }
0x5d: {  	[bflag:$0x0] =	sbarrier.arrive $0xFFFF  }
0x5e: {  	p0 =	sne.s32 s1, $0x0;
	_ =	strace $0x9000004A  }
0x5f: {  	s0 =	sadd.s32 @!p0 $0x100000, s0;
	[bflag:$0x2] =	sbarrier.arrive $0xFFFF  }
0x60: {  	[sflag:s0] =	ssyncadd.tile.s32 @!p0 $0x1;
	_ =	shalt  }
.Lfunc_end2:
_tile_overlayer_lowered:
.L_overlay_start_2:
0x61: {  	(tag) =	ssettag $0x2  }
0x62: {  	s0 =	rddreg [dreg:$0x0];
	s2 =	stileid.u32  }
0x63: {  	s1 =	rddreg [dreg:$0x1];
	p0 =	sne.s32 s2, $0x0  }
0x64: {  	s3 =	rddreg [dreg:$0x2];
	[bflag:$0x3] =	sbarrier.arrive $0xFFFF;
	s2 =	simm.s32 @!p0 $0x1C02  }
0x65: {  	[timem:s3], [sflag:s2] =	dma.local @!p0 [hbm:s0], s1  }
0x66: {  	s0 =	simm.s32 @!p0 $0x2  }
0x67: {  	_ =	swait.ge @!p0 [sflag:s0], s1  }
0x68: {  	s1 =	ssub.s32 @!p0 $0x0, s1;
	[sflag:s0] =	ssyncset.done @!p0 $0x0  }
0x69: {  	[sflag:s0] =	ssyncadd.s32 @!p0 s1  }
0x6a: {  	[bflag:$0x3] =	sbarrier.arrive $0xFFFF  }
0x6b: {  	_ =	shalt  }

// kernel: kernel.14.cloned.1.call-start
scs
__scs_entry_jumppad:
0x0: {  	(pc) =	sbr.rel $0x88, $3  }
0x1: {  	(tag) =	ssettag $0x0;
	lr =	simm.s32 $0x1  }
0x2: {  	[smem:$0x3F99] =	sst lr;
	_ =	strace $0xD0000000  }
0x3: {  	_ = 	snop  }
0x4: {  	_ = 	snop  }
0x5: {  	_ = 	snop  }
0x6: {  	_ = 	snop  }
0x7: {  	_ = 	snop  }
__scs_overlays_trampoline_lowered:
0x8: {  	[smem:$0x3FA8] =	sst s0  }
0x9: {  	[smem:$0x3FA9] =	sst s1  }
0xa: {  	[smem:$0x3FAA] =	sst s2  }
0xb: {  	[smem:$0x3FAB] =	sst s3  }
0xc: {  	[smem:$0x3FAC] =	sst s4  }
0xd: {  	[smem:$0x3FAD] =	sst s5  }
0xe: {  	[smem:$0x3FAE] =	sst s6  }
0xf: {  	[smem:$0x3FAF] =	sst s7  }
0x10: {  	[smem:$0x3FB0] =	sst s8  }
0x11: {  	[smem:$0x3FB1] =	sst s9;
	s0 =	simm.s32 @!p0 $0x0  }
0x12: {  	s1 =	sld [smem:$0x3F97];
	s0 =	simm.s32 @p0 $0x1  }
0x13: {  	[smem:$0x3FB2] =	sst s0;
	s0 =	simm.s32 @!p1 $0x0  }
0x14: {  	s2 =	sld [smem:$0x3F96];
	s0 =	simm.s32 @p1 $0x1  }
0x15: {  	[smem:$0x3FB3] =	sst s0;
	s0 =	simm.s32 @!p2 $0x0  }
0x16: {  	s3 =	sld [smem:$0x3FDB];
	s0 =	simm.s32 @p2 $0x1  }
0x17: {  	s4 =	simm.s32 $0x1BF5;
	[smem:$0x3FB5] =	sst s0  }
0x18: {  	s0 =	sld [smem:$0x3F98];
	_ =	swait.ge [sflag:s4], $0x0  }
0x19: {  	s7 =	sld [smem:$0x3F99]  }
0x1a: {  	s8 =	sadd.s32 $0xFFFFE003, lr  }
0x1b: {  	s9 =	sadd.s32 $0xFFFFFEF7, lr;
	s5 =	simm.s32 $0xFFFFFFFF;
	p2 =	slt.u32 s8, $0xFFFFF086  }
0x1c: {  	p1 =	slt.u32 s9, $0xF7A;
	s5 =	simm.s32 @!p2 $0x0  }
0x1d: {  	s5 =	simm.s32 @p1 $0x1;
	p0 =	seq.s32 s7, s2  }
0x1e: {  	s7 =	smul.u32 @!p0 $0xF7A, s2;
	p2 =	seq.s32 @!p0 s5, $0x0  }
0x1f: {  	s9 =	smul.u32 $0xF7A, s1;
	s8 =	simm.s32 @!p0 $0x1BF5;
	p2 =	por !p2, p0  }
0x20: {  	[sflag:s8] =	ssyncset.s32 @!p0 $0xFFFFF086;
	s6 =	sadd.s32 @!p0 s3, s7;
	s7 =	simm.s32 @!p0 $0x108  }
0x21: {  	s3 =	sadd.s32 s3, s9;
	s6 =	sadd.s32 @!p0 $0x88, s6;
	s7 =	simm.s32 @p2 $0x1082  }
0x22: {  	[simem:s7], [sflag:s8] =	dma.local @!p0 [hbm:s6], $0xF7A  }
0x23: {  	s9 =	sor.u32 $0xD0000000, s2;
	s6 =	simm.s32 $0x108;
	_ =	swait.ge @!p0 [sflag:s8], $0x0  }
0x24: {  	s3 =	sadd.s32 $0x88, s3;
	s6 =	simm.s32 @!p1 $0x1082;
	[sflag:s4] =	ssyncset.s32 $0xFFFFF086  }
0x25: {  	[simem:s6], [sflag:s4] =	dma.local [hbm:s3], $0xF7A  }
0x26: {  	[smem:$0x3F99] =	sst s1;
	(tag) =	ssettag s2;
	_ =	strace s9  }
0x27: {  	s1 =	sld [smem:$0x3FA9]  }
0x28: {  	s2 =	sld [smem:$0x3FAA]  }
0x29: {  	s4 =	sld [smem:$0x3FAC]  }
0x2a: {  	p0 =	seq.s32 s5, $0x0;
	s5 =	sld [smem:$0x3FAD]  }
0x2b: {  	s6 =	sld [smem:$0x3FAE]  }
0x2c: {  	s7 =	sld [smem:$0x3FAF]  }
0x2d: {  	s3 =	simm.s32 $0x108;
	s8 =	sld [smem:$0x3FB0]  }
0x2e: {  	s3 =	simm.s32 @!p0 $0x1082;
	s9 =	sld [smem:$0x3FB1]  }
0x2f: {  	lr =	sadd.s32 s0, s3;
	s0 =	sld [smem:$0x3FA8]  }
0x30: {  	s3 =	sld [smem:$0x3FAB]  }
0x31: {  	[smem:$0x3FB4] =	sst s10  }
0x32: {  	s10 =	sld [smem:$0x3FB2];
	_ =	sdelay $0x3  }
0x33: {  	p0 =	seq.s32 s10, $0x1;
	s10 =	sld [smem:$0x3FB4];
	_ =	sdelay $0x3  }
0x34: {  	[smem:$0x3FB4] =	sst s10  }
0x35: {  	s10 =	sld [smem:$0x3FB3];
	_ =	sdelay $0x3  }
0x36: {  	p1 =	seq.s32 s10, $0x1;
	s10 =	sld [smem:$0x3FB4];
	_ =	sdelay $0x3  }
0x37: {  	[smem:$0x3FB4] =	sst s10  }
0x38: {  	s10 =	sld [smem:$0x3FB5]  }
0x39: {  	_ = 	snop;
	(pc) =	sbr.ind lr, $3  }
0x3a: {  	_ = 	snop  }
0x3b: {  	_ = 	snop  }
0x3c: {  	p2 =	seq.s32 s10, $0x1;
	s10 =	sld [smem:$0x3FB4]  }
0x3d: {  	_ =	shalt  }
0x3e: {  	_ =	shalt  }
0x3f: {  	_ =	shalt  }
0x40: {  	_ =	shalt  }
0x41: {  	_ =	shalt  }
0x42: {  	_ =	shalt  }
0x43: {  	_ =	shalt  }
0x44: {  	_ =	shalt  }
0x45: {  	_ =	shalt  }
0x46: {  	_ =	shalt  }
0x47: {  	_ =	shalt  }
0x48: {  	_ =	shalt  }
0x49: {  	_ =	shalt  }
0x4a: {  	_ =	shalt  }
0x4b: {  	_ =	shalt  }
0x4c: {  	_ =	shalt  }
0x4d: {  	_ =	shalt  }
0x4e: {  	_ =	shalt  }
0x4f: {  	_ =	shalt  }
0x50: {  	_ =	shalt  }
0x51: {  	_ =	shalt  }
0x52: {  	_ =	shalt  }
0x53: {  	_ =	shalt  }
0x54: {  	_ =	shalt  }
0x55: {  	_ =	shalt  }
0x56: {  	_ =	shalt  }
0x57: {  	_ =	shalt  }
0x58: {  	_ =	shalt  }
0x59: {  	_ =	shalt  }
0x5a: {  	_ =	shalt  }
0x5b: {  	_ =	shalt  }
0x5c: {  	_ =	shalt  }
0x5d: {  	_ =	shalt  }
0x5e: {  	_ =	shalt  }
0x5f: {  	_ =	shalt  }
0x60: {  	_ =	shalt  }
0x61: {  	_ =	shalt  }
0x62: {  	_ =	shalt  }
0x63: {  	_ =	shalt  }
0x64: {  	_ =	shalt  }
0x65: {  	_ =	shalt  }
0x66: {  	_ =	shalt  }
0x67: {  	_ =	shalt  }
0x68: {  	_ =	shalt  }
0x69: {  	_ =	shalt  }
0x6a: {  	_ =	shalt  }
0x6b: {  	_ =	shalt  }
0x6c: {  	_ =	shalt  }
0x6d: {  	_ =	shalt  }
0x6e: {  	_ =	shalt  }
0x6f: {  	_ =	shalt  }
0x70: {  	_ =	shalt  }
0x71: {  	_ =	shalt  }
0x72: {  	_ =	shalt  }
0x73: {  	_ =	shalt  }
0x74: {  	_ =	shalt  }
0x75: {  	_ =	shalt  }
0x76: {  	_ =	shalt  }
0x77: {  	_ =	shalt  }
0x78: {  	_ =	shalt  }
0x79: {  	_ =	shalt  }
0x7a: {  	_ =	shalt  }
0x7b: {  	_ =	shalt  }
0x7c: {  	_ =	shalt  }
0x7d: {  	_ =	shalt  }
0x7e: {  	_ =	shalt  }
0x7f: {  	_ =	shalt  }
0x80: {  	_ =	shalt  }
0x81: {  	_ =	shalt  }
0x82: {  	_ =	shalt  }
0x83: {  	_ =	shalt  }
0x84: {  	_ =	shalt  }
0x85: {  	_ =	shalt  }
0x86: {  	_ =	shalt  }
0x87: {  	_ =	shalt  }
.Lfunc_end0:
.L_simem_size_0:
called_computation.2_lowered:
.L_overlay_start_0:
0x88: {  	s2 =	sld [smem:$0x3FD9]  }
0x89: {  	s3 =	sld [smem:$0x3FFE];
	_ =	sdelay $0x1  }
0x8a: {  	s1 =	srdreg.scid  }
0x8b: {  	s0 =	sand.u32 $0x1, s1  }
0x8c: {  	s16 =	sshll.u32 s0, $0xA;
	s2 =	sadd.s32 s3, s2  }
0x8d: {  	s2 =	sadd.s32 s2, s16  }
0x8e: {  	[smem:$0x3FC0] =	sst s2  }
0x8f: {  	_ = 	snop  }
0x90: {  	(tm) =	ssettm $0x1  }
0x91: {  	s17 =	sld [smem:$0x3FFB];
	_ =	sdelay $0x3  }
0x92: {  	_ =	strace s17  }
0x93: {  	s2 =	sld [smem:$0x3FFC];
	_ =	sdelay $0x3  }
0x94: {  	_ =	strace s2  }
0x95: {  	s2 =	sld [smem:$0x3FFD];
	_ =	sdelay $0x3  }
0x96: {  	_ =	strace s2  }
0x97: {  	_ =	strace $0x8FFFFFFF  }
0x98: {  	s18 =	sld [smem:$0x3FDB];
	_ =	sdelay $0x1  }
0x99: {  	s19 =	simm.s32 $_scs_section_size  }
0x9a: {  	s4 =	simm.s32 $_size__tile_overlayer_lowered;
	s5 =	simm.s32 $_tile_overlayer_lowered  }
0x9b: {  	s22 =	simm.s32 $0x1BFF;
	s21 =	sshll.u32 s5, $0x1;
	s2 =	sadd.s32 s19, s18  }
0x9c: {  	s6 =	simm.s32 $0x0;
	s20 =	sshll.u32 s4, $0x1;
	s4 =	sadd.s32 s21, s2  }
0x9d: {  	[timem:s6], [sflag:s22] =	dma.local [hbm:s4], s20  }
0x9e: {  	_ =	swait.ge [sflag:s22], s20  }
0x9f: {  	s3 =	ssub.s32 $0x0, s20;
	[sflag:s22] =	ssyncset.done $0x0  }
0xa0: {  	[sflag:s22] =	ssyncadd.s32 s3;
	_ =	sdelay $0x1  }
0xa1: {  	s23 =	simm.s32 $0x1B8B  }
0xa2: {  	_ =	swait.ge [sflag:s23], $0x1  }
0xa3: {  	[sflag:s23] =	ssyncset.done $0x0  }
0xa4: {  	s25 =	simm.s32 $0x1B8E;
	s24 =	sld [smem:$0x3FFE];
	[sflag:s23] =	ssyncadd.s32 $0xFFFFFFFF  }
0xa5: {  	s26 =	simm.s32 $execute0_lowered;
	[smem:$0x3FD2] =	sst s25  }
0xa6: {  	s4 =	sshll.u32 s26, $0x1;
	_ =	strace $0x8000004C;
	[dreg:$0x1] =	wrdreg $0xFFFFFFFF  }
0xa7: {  	s28 =	simm.s32 $_size_execute0_lowered;
	s2 =	sadd.s32 s2, s4;
	[dreg:$0x0] =	wrdreg $0x0  }
0xa8: {  	s4 =	sshll.u32 s28, $0x1;
	[dreg:$0x2] =	wrdreg s2  }
0xa9: {  	[dreg:$0x3] =	wrdreg s4  }
0xaa: {  	[dreg:$0x4] =	wrdreg $0xC0  }
0xab: {  	_ =	task [dreg:s6], $0x5FFFF  }
0xac: {  	[dreg:$0x1] =	wrdreg $0xFFFFFFFF  }
0xad: {  	[dreg:$0x0] =	wrdreg $0x60  }
0xae: {  	[dreg:$0x2] =	wrdreg s24  }
0xaf: {  	[dreg:$0x3] =	wrdreg $0x70000  }
0xb0: {  	[dreg:$0x4] =	wrdreg $0xBF000  }
0xb1: {  	[dreg:$0x5] =	wrdreg $0x9  }
0xb2: {  	_ =	task.clear_ibuf [dreg:s6], $0x6FFFF;
	_ =	strace $0x9000004C  }
0xb3: {  	s29 =	simm.s32 $0x9;
	_ =	strace $0x8000004E  }
0xb4: {  	_ =	swait.ge [sflag:s29], $0x1  }
0xb5: {  	[sflag:s29] =	ssyncadd.s32 $0xFFFFFFFF  }
0xb6: {  	_ =	strace $0x9000004E  }
0xb7: {  	_ =	sfence  }
0xb8: {  	s30 =	sld [smem:$0x0];
	_ =	sdelay $0x2  }
0xb9: {  	s31 =	sshll.u32 s1, $0xD;
	s1 =	sshrl.u32 s1, $0x2  }
0xba: {  	s3 =	sand.u32 $0x4000, s31;
	s1 =	sadd.s32 s1, s30  }
0xbb: {  	s0 =	sor.u32 s3, s0;
	s1 =	sshll.u32 s1, $0x11  }
0xbc: {  	s0 =	sor.u32 s1, s0  }
0xbd: {  	s0 =	sadd.s32 $0x8F2B, s0  }
0xbe: {  	[sflag:s0] =	ssyncadd.remote.s32 $0x1  }
0xbf: {  	_ =	sfence.sel $0xFFFF  }
0xc0: {  	[dreg:$0x0] =	wrdreg $0xFFFFFFFF;
	(pc) =	sbr.abs _section_cstart, $3  }
0xc1: {  	[dreg:$0x1] =	wrdreg $0xFFFFFFFF  }
0xc2: {  	_ =	task.clear_ibuf [dreg:s6], $0x2FFFF;
	_ =	strace $0x9FFFFFFF  }
0xc3: {  	(tm) =	ssettm $0x7FFFFFFF  }
tec
execute0_lowered:
.L_overlay_start_1:
0x0: {  	(tag) =	ssettag $0x1  }
0x1: {  	s5 =	rddreg [dreg:$0x0]  }
0x2: {  	s2 =	rddreg [dreg:$0x1]  }
0x3: {  	s3 =	rddreg [dreg:$0x2]  }
0x4: {  	s0 =	rddreg [dreg:$0x3]  }
0x5: {  	s4 =	simm.s32 $0x0;
	s1 =	stileid.u32;
	s6 =	srdreg.scid  }
0x6: {  	s12 =	simm.s32 $0x2800;
	s16 =	simm.s32 $0x80;
	s17 =	simm.s32 $0x5000  }
0x7: {  	s18 =	simm.s32 $0x6000;
	s19 =	simm.s32 $0x1;
	s20 =	simm.s32 $0x0  }
0x8: {  	s8 =	smul.u32 $0x4F00, s1;
	s6 =	sand.u32 $0x1, s6;
	s7 =	sshll.u32 s1, $0x1  }
0x9: {  	[smem:$0x7FF] =	sst s4;
	s13 =	sshll.u32 s1, $0x6;
	s7 =	sor.u32 s6, s7  }
0xa: {  	s9 =	smul.u32 $0x4F000, s6;
	_ =	strace $0x8000004D;
	s6 =	ssub.s32 $0x2, s6  }
0xb: {  	s13 =	sor.u32 $0x1C02, s13;
	s10 =	sshrl.u32 s8, $0x3;
	s7 =	smul.u32 $0x500, s7  }
0xc: {  	s11 =	sshrl.u32 s6, $0x1;
	s14 =	sadd.s32 s8, s2;
	s15 =	sadd.s32 s8, s3  }
0xd: {  	s10 =	sadd.s32 s10, s5;
	s9 =	sadd.s32 s8, s9;
	s11 =	ssub.s32 s6, s11  }
0xe: {  	s14 =	sshrl.u32 s14, $0x3;
	s15 =	sshrl.u32 s15, $0x3;
	s9 =	sshrl.u32 s9, $0x3  }
0xf: {  	s7 =	sadd.s32 s7, s5;
	s8 =	sadd.s32 $0xB800, s10;
	s9 =	sadd.s32 s9, s5  }
0x10: {  	s5 =	sadd.s32 $0x1A600, s7;
	s6 =	sadd.s32 $0x1800, s7;
	s7 =	sadd.s32 $0x24600, s10  }
0x11: {  	s10 =	smax.u32 s11, $0x1;
	s11 =	simm.s32 $0x2;
	s9 =	sadd.s32 $0x2E400, s9  }
.LBB2_1:
0x12: {  	[tilespmem:s4], [sflag:$0x2] =	stream.linear.gather [hbm4b:s5+s4], $0x2800, $0x38;
	[tilespmem:$0x10E00] =	vst v63  }
0x13: {  	_ =	swait.ge [sflag:s11], $0x2800  }
0x14: {  	[sflag:s11] =	ssyncset.done $0x0  }
0x15: {  	[sflag:s11] =	ssyncadd.s32 $0xFFFFD800  }
0x16: {  	[tilespmem:s12], [sflag:$0x2] =	stream.linear.gather [hbm4b:s6+s4], $0x2800, $0x38;
	[tilespmem:$0x10E00] =	vst v63  }
0x17: {  	_ =	swait.ge [sflag:s11], $0x2800  }
0x18: {  	[sflag:s11] =	ssyncset.done $0x0  }
0x19: {  	[sflag:s11] =	ssyncadd.s32 $0xFFFFD800  }
0x1a: {  	[spmem:s14], [sflag:s13] =	dma.local [hbm:s7], $0x9E0  }
0x1b: {  	_ =	swait.ge [sflag:s11], $0x9E0  }
0x1c: {  	[sflag:s11] =	ssyncset.done $0x0  }
0x1d: {  	[sflag:s11] =	ssyncadd.s32 $0xFFFFF620  }
0x1e: {  	[spmem:s15], [sflag:s13] =	dma.local [hbm:s8], $0x9E0  }
0x1f: {  	_ =	swait.ge [sflag:s11], $0x9E0  }
0x20: {  	[sflag:s11] =	ssyncset.done $0x0  }
0x21: {  	[sflag:s11] =	ssyncadd.s32 $0xFFFFF620  }
0x22: {  	s21 =	simm.s32 $0x0;
	[bflag:$0x0] =	sbarrier.arrive $0xFFFF  }
0x23: {  	[tilespmem:s17], [sflag:$0x2] =	stream.indirect.gather [spmem:s3], $0x20, s21, s16, $0xb8;
	[tilespmem:$0x10E00] =	vst v63  }
0x24: {  	_ =	swait.ge [sflag:s11], $0x1000  }
0x25: {  	[sflag:s11] =	ssyncset.done $0x0  }
0x26: {  	s29 =	simm.s32 $0x80;
	[sflag:s11] =	ssyncadd.s32 $0xFFFFF000  }
0x27: {  	[tilespmem:s18], [sflag:$0x1] =	stream.indirect.gather [spmem:s3], $0x20, s29, s16, $0xb8;
	[tilespmem:$0x10E00] =	vst v63  }
0x28: {  	s30 =	simm.s32 $0x2800  }
0x29: {  	[spmem:s2] =	stream.indirect.scatter.add.f32 [tilespmem:s17], [sflag:$0x2], $0x20, s30, s16, $0xb8;
	[tilespmem:$0x10E00] =	vst v63  }
0x2a: {  	_ =	swait.ge [sflag:s11], $0x1000  }
0x2b: {  	[sflag:s11] =	ssyncset.done $0x0  }
0x2c: {  	[sflag:s11] =	ssyncadd.s32 $0xFFFFF000  }
0x2d: {  	_ =	swait.ge [sflag:s19], $0x1000  }
0x2e: {  	[sflag:s19] =	ssyncset.done $0x0  }
0x2f: {  	s31 =	simm.s32 $0x2880;
	[sflag:s19] =	ssyncadd.s32 $0xFFFFF000  }
0x30: {  	[spmem:s2] =	stream.indirect.scatter.add.f32 [tilespmem:s18], [sflag:$0x2], $0x20, s31, s16, $0xb8;
	[tilespmem:$0x10E00] =	vst v63  }
0x31: {  	_ =	swait.ge [sflag:s11], $0x1000  }
0x32: {  	s22 =	simm.s32 $0x800;
	s21 =	simm.s32 $0x400;
	[sflag:s11] =	ssyncset.done $0x0  }
.LBB2_2:
0x33: {  	s23 =	sshra.s32 s21, $0x2  }
0x34: {  	[sflag:s11] =	ssyncadd.s32 $0xFFFFF000;
	s21 =	smov.u32 s22;
	s24 =	sadd.s32 $0x400, s22  }
0x35: {  	[tilespmem:s17], [sflag:$0x2] =	stream.indirect.gather [spmem:s3], $0x20, s23, s16, $0xb8;
	[tilespmem:$0x10E00] =	vst v63  }
0x36: {  	p0 =	sne.s32 s22, $0x9C00;
	_ =	swait.ge [sflag:s11], $0x1000  }
0x37: {  	[sflag:s11] =	ssyncset.done $0x0  }
0x38: {  	s22 =	sadd.s32 $0x80, s23;
	[sflag:s11] =	ssyncadd.s32 $0xFFFFF000  }
0x39: {  	[tilespmem:s18], [sflag:$0x1] =	stream.indirect.gather [spmem:s3], $0x20, s22, s16, $0xb8;
	[tilespmem:$0x10E00] =	vst v63  }
0x3a: {  	s22 =	sadd.s32 $0x2800, s23  }
0x3b: {  	[spmem:s2] =	stream.indirect.scatter.add.f32 [tilespmem:s17], [sflag:$0x2], $0x20, s22, s16, $0xb8;
	[tilespmem:$0x10E00] =	vst v63  }
0x3c: {  	_ =	swait.ge [sflag:s11], $0x1000  }
0x3d: {  	[sflag:s11] =	ssyncset.done $0x0  }
0x3e: {  	[sflag:s11] =	ssyncadd.s32 $0xFFFFF000  }
0x3f: {  	_ =	swait.ge [sflag:s19], $0x1000  }
.Ltmp0:
0x40: {  	[sflag:s19] =	ssyncset.done $0x0;
	(pc) =	sbr.rel @p0 .LBB2_2-.Ltmp0, $4  }
0x41: {  	s22 =	sadd.s32 $0x2880, s23;
	[sflag:s19] =	ssyncadd.s32 $0xFFFFF000  }
0x42: {  	[spmem:s2] =	stream.indirect.scatter.add.f32 [tilespmem:s18], [sflag:$0x2], $0x20, s22, s16, $0xb8;
	[tilespmem:$0x10E00] =	vst v63  }
0x43: {  	_ =	swait.ge [sflag:s11], $0x1000  }
0x44: {  	s22 =	smov.u32 s24;
	[sflag:s11] =	ssyncset.done $0x0  }
0x45: {  	s21 =	sshra.s32 s21, $0x2;
	[sflag:s11] =	ssyncadd.s32 $0xFFFFF000  }
0x46: {  	[tilespmem:s17], [sflag:$0x2] =	stream.indirect.gather [spmem:s3], $0x20, s21, s16, $0xb8;
	[tilespmem:$0x10E00] =	vst v63  }
0x47: {  	_ =	swait.ge [sflag:s11], $0x1000  }
0x48: {  	[sflag:s11] =	ssyncset.done $0x0  }
0x49: {  	s22 =	sadd.s32 $0x80, s21;
	[sflag:s11] =	ssyncadd.s32 $0xFFFFF000  }
0x4a: {  	[tilespmem:s18], [sflag:$0x1] =	stream.indirect.gather [spmem:s3], $0x20, s22, s16, $0xb8;
	[tilespmem:$0x10E00] =	vst v63  }
0x4b: {  	s31 =	sadd.s32 $0x2800, s21  }
0x4c: {  	[spmem:s2] =	stream.indirect.scatter.add.f32 [tilespmem:s17], [sflag:$0x2], $0x20, s31, s16, $0xb8;
	[tilespmem:$0x10E00] =	vst v63  }
0x4d: {  	_ =	swait.ge [sflag:s11], $0x1000  }
0x4e: {  	[sflag:s11] =	ssyncset.done $0x0  }
0x4f: {  	[sflag:s11] =	ssyncadd.s32 $0xFFFFF000  }
0x50: {  	_ =	swait.ge [sflag:s19], $0x1000  }
0x51: {  	[sflag:s19] =	ssyncset.done $0x0  }
0x52: {  	s21 =	sadd.s32 $0x2880, s21;
	[sflag:s19] =	ssyncadd.s32 $0xFFFFF000  }
0x53: {  	[spmem:s2] =	stream.indirect.scatter.add.f32 [tilespmem:s18], [sflag:$0x2], $0x20, s21, s16, $0xb8;
	[tilespmem:$0x10E00] =	vst v63  }
0x54: {  	_ =	swait.ge [sflag:s11], $0x1000  }
0x55: {  	s20 =	sadd.s32 $0x1, s20;
	[sflag:s11] =	ssyncset.done $0x0  }
0x56: {  	p0 =	sne.s32 s20, s10;
	[sflag:s11] =	ssyncadd.s32 $0xFFFFF000  }
.Ltmp1:
0x57: {  	[bflag:$0x0] =	sbarrier.arrive $0xFFFF;
	(pc) =	sbr.rel @p0 .LBB2_1-.Ltmp1, $4  }
0x58: {  	[hbm:s9], [sflag:s13] =	dma.local [spmem:s14], $0x9E0  }
0x59: {  	_ =	swait.ge [sflag:s11], $0x9E0  }
0x5a: {  	[sflag:s11] =	ssyncset.done $0x0  }
0x5b: {  	[sflag:s11] =	ssyncadd.s32 $0xFFFFF620  }
0x5c: {  	_ =	sfence.sel $0x180000  }
0x5d: {  	[bflag:$0x0] =	sbarrier.arrive $0xFFFF  }
0x5e: {  	p0 =	sne.s32 s1, $0x0;
	_ =	strace $0x9000004D  }
0x5f: {  	s0 =	sadd.s32 @!p0 $0x100000, s0;
	[bflag:$0x2] =	sbarrier.arrive $0xFFFF  }
0x60: {  	[sflag:s0] =	ssyncadd.tile.s32 @!p0 $0x1;
	_ =	shalt  }
.Lfunc_end2:
_tile_overlayer_lowered:
.L_overlay_start_2:
0x61: {  	(tag) =	ssettag $0x2  }
0x62: {  	s0 =	rddreg [dreg:$0x0];
	s2 =	stileid.u32  }
0x63: {  	s1 =	rddreg [dreg:$0x1];
	p0 =	sne.s32 s2, $0x0  }
0x64: {  	s3 =	rddreg [dreg:$0x2];
	[bflag:$0x3] =	sbarrier.arrive $0xFFFF;
	s2 =	simm.s32 @!p0 $0x1C02  }
0x65: {  	[timem:s3], [sflag:s2] =	dma.local @!p0 [hbm:s0], s1  }
0x66: {  	s0 =	simm.s32 @!p0 $0x2  }
0x67: {  	_ =	swait.ge @!p0 [sflag:s0], s1  }
0x68: {  	s1 =	ssub.s32 @!p0 $0x0, s1;
	[sflag:s0] =	ssyncset.done @!p0 $0x0  }
0x69: {  	[sflag:s0] =	ssyncadd.s32 @!p0 s1  }
0x6a: {  	[bflag:$0x3] =	sbarrier.arrive $0xFFFF  }
0x6b: {  	_ =	shalt  }

// kernel: kernel.8.cloned.1.call-start
scs
__scs_entry_jumppad:
0x0: {  	(pc) =	sbr.rel $0x88, $3  }
0x1: {  	(tag) =	ssettag $0x0;
	lr =	simm.s32 $0x1  }
0x2: {  	[smem:$0x3F99] =	sst lr;
	_ =	strace $0xD0000000  }
0x3: {  	_ = 	snop  }
0x4: {  	_ = 	snop  }
0x5: {  	_ = 	snop  }
0x6: {  	_ = 	snop  }
0x7: {  	_ = 	snop  }
__scs_overlays_trampoline_lowered:
0x8: {  	[smem:$0x3FA8] =	sst s0  }
0x9: {  	[smem:$0x3FA9] =	sst s1  }
0xa: {  	[smem:$0x3FAA] =	sst s2  }
0xb: {  	[smem:$0x3FAB] =	sst s3  }
0xc: {  	[smem:$0x3FAC] =	sst s4  }
0xd: {  	[smem:$0x3FAD] =	sst s5  }
0xe: {  	[smem:$0x3FAE] =	sst s6  }
0xf: {  	[smem:$0x3FAF] =	sst s7  }
0x10: {  	[smem:$0x3FB0] =	sst s8  }
0x11: {  	[smem:$0x3FB1] =	sst s9;
	s0 =	simm.s32 @!p0 $0x0  }
0x12: {  	s1 =	sld [smem:$0x3F97];
	s0 =	simm.s32 @p0 $0x1  }
0x13: {  	[smem:$0x3FB2] =	sst s0;
	s0 =	simm.s32 @!p1 $0x0  }
0x14: {  	s2 =	sld [smem:$0x3F96];
	s0 =	simm.s32 @p1 $0x1  }
0x15: {  	[smem:$0x3FB3] =	sst s0;
	s0 =	simm.s32 @!p2 $0x0  }
0x16: {  	s3 =	sld [smem:$0x3FDB];
	s0 =	simm.s32 @p2 $0x1  }
0x17: {  	s4 =	simm.s32 $0x1BF5;
	[smem:$0x3FB5] =	sst s0  }
0x18: {  	s0 =	sld [smem:$0x3F98];
	_ =	swait.ge [sflag:s4], $0x0  }
0x19: {  	s7 =	sld [smem:$0x3F99]  }
0x1a: {  	s8 =	sadd.s32 $0xFFFFE003, lr  }
0x1b: {  	s9 =	sadd.s32 $0xFFFFFEF7, lr;
	s5 =	simm.s32 $0xFFFFFFFF;
	p2 =	slt.u32 s8, $0xFFFFF086  }
0x1c: {  	p1 =	slt.u32 s9, $0xF7A;
	s5 =	simm.s32 @!p2 $0x0  }
0x1d: {  	s5 =	simm.s32 @p1 $0x1;
	p0 =	seq.s32 s7, s2  }
0x1e: {  	s7 =	smul.u32 @!p0 $0xF7A, s2;
	p2 =	seq.s32 @!p0 s5, $0x0  }
0x1f: {  	s9 =	smul.u32 $0xF7A, s1;
	s8 =	simm.s32 @!p0 $0x1BF5;
	p2 =	por !p2, p0  }
0x20: {  	[sflag:s8] =	ssyncset.s32 @!p0 $0xFFFFF086;
	s6 =	sadd.s32 @!p0 s3, s7;
	s7 =	simm.s32 @!p0 $0x108  }
0x21: {  	s3 =	sadd.s32 s3, s9;
	s6 =	sadd.s32 @!p0 $0x88, s6;
	s7 =	simm.s32 @p2 $0x1082  }
0x22: {  	[simem:s7], [sflag:s8] =	dma.local @!p0 [hbm:s6], $0xF7A  }
0x23: {  	s9 =	sor.u32 $0xD0000000, s2;
	s6 =	simm.s32 $0x108;
	_ =	swait.ge @!p0 [sflag:s8], $0x0  }
0x24: {  	s3 =	sadd.s32 $0x88, s3;
	s6 =	simm.s32 @!p1 $0x1082;
	[sflag:s4] =	ssyncset.s32 $0xFFFFF086  }
0x25: {  	[simem:s6], [sflag:s4] =	dma.local [hbm:s3], $0xF7A  }
0x26: {  	[smem:$0x3F99] =	sst s1;
	(tag) =	ssettag s2;
	_ =	strace s9  }
0x27: {  	s1 =	sld [smem:$0x3FA9]  }
0x28: {  	s2 =	sld [smem:$0x3FAA]  }
0x29: {  	s4 =	sld [smem:$0x3FAC]  }
0x2a: {  	p0 =	seq.s32 s5, $0x0;
	s5 =	sld [smem:$0x3FAD]  }
0x2b: {  	s6 =	sld [smem:$0x3FAE]  }
0x2c: {  	s7 =	sld [smem:$0x3FAF]  }
0x2d: {  	s3 =	simm.s32 $0x108;
	s8 =	sld [smem:$0x3FB0]  }
0x2e: {  	s3 =	simm.s32 @!p0 $0x1082;
	s9 =	sld [smem:$0x3FB1]  }
0x2f: {  	lr =	sadd.s32 s0, s3;
	s0 =	sld [smem:$0x3FA8]  }
0x30: {  	s3 =	sld [smem:$0x3FAB]  }
0x31: {  	[smem:$0x3FB4] =	sst s10  }
0x32: {  	s10 =	sld [smem:$0x3FB2];
	_ =	sdelay $0x3  }
0x33: {  	p0 =	seq.s32 s10, $0x1;
	s10 =	sld [smem:$0x3FB4];
	_ =	sdelay $0x3  }
0x34: {  	[smem:$0x3FB4] =	sst s10  }
0x35: {  	s10 =	sld [smem:$0x3FB3];
	_ =	sdelay $0x3  }
0x36: {  	p1 =	seq.s32 s10, $0x1;
	s10 =	sld [smem:$0x3FB4];
	_ =	sdelay $0x3  }
0x37: {  	[smem:$0x3FB4] =	sst s10  }
0x38: {  	s10 =	sld [smem:$0x3FB5]  }
0x39: {  	_ = 	snop;
	(pc) =	sbr.ind lr, $3  }
0x3a: {  	_ = 	snop  }
0x3b: {  	_ = 	snop  }
0x3c: {  	p2 =	seq.s32 s10, $0x1;
	s10 =	sld [smem:$0x3FB4]  }
0x3d: {  	_ =	shalt  }
0x3e: {  	_ =	shalt  }
0x3f: {  	_ =	shalt  }
0x40: {  	_ =	shalt  }
0x41: {  	_ =	shalt  }
0x42: {  	_ =	shalt  }
0x43: {  	_ =	shalt  }
0x44: {  	_ =	shalt  }
0x45: {  	_ =	shalt  }
0x46: {  	_ =	shalt  }
0x47: {  	_ =	shalt  }
0x48: {  	_ =	shalt  }
0x49: {  	_ =	shalt  }
0x4a: {  	_ =	shalt  }
0x4b: {  	_ =	shalt  }
0x4c: {  	_ =	shalt  }
0x4d: {  	_ =	shalt  }
0x4e: {  	_ =	shalt  }
0x4f: {  	_ =	shalt  }
0x50: {  	_ =	shalt  }
0x51: {  	_ =	shalt  }
0x52: {  	_ =	shalt  }
0x53: {  	_ =	shalt  }
0x54: {  	_ =	shalt  }
0x55: {  	_ =	shalt  }
0x56: {  	_ =	shalt  }
0x57: {  	_ =	shalt  }
0x58: {  	_ =	shalt  }
0x59: {  	_ =	shalt  }
0x5a: {  	_ =	shalt  }
0x5b: {  	_ =	shalt  }
0x5c: {  	_ =	shalt  }
0x5d: {  	_ =	shalt  }
0x5e: {  	_ =	shalt  }
0x5f: {  	_ =	shalt  }
0x60: {  	_ =	shalt  }
0x61: {  	_ =	shalt  }
0x62: {  	_ =	shalt  }
0x63: {  	_ =	shalt  }
0x64: {  	_ =	shalt  }
0x65: {  	_ =	shalt  }
0x66: {  	_ =	shalt  }
0x67: {  	_ =	shalt  }
0x68: {  	_ =	shalt  }
0x69: {  	_ =	shalt  }
0x6a: {  	_ =	shalt  }
0x6b: {  	_ =	shalt  }
0x6c: {  	_ =	shalt  }
0x6d: {  	_ =	shalt  }
0x6e: {  	_ =	shalt  }
0x6f: {  	_ =	shalt  }
0x70: {  	_ =	shalt  }
0x71: {  	_ =	shalt  }
0x72: {  	_ =	shalt  }
0x73: {  	_ =	shalt  }
0x74: {  	_ =	shalt  }
0x75: {  	_ =	shalt  }
0x76: {  	_ =	shalt  }
0x77: {  	_ =	shalt  }
0x78: {  	_ =	shalt  }
0x79: {  	_ =	shalt  }
0x7a: {  	_ =	shalt  }
0x7b: {  	_ =	shalt  }
0x7c: {  	_ =	shalt  }
0x7d: {  	_ =	shalt  }
0x7e: {  	_ =	shalt  }
0x7f: {  	_ =	shalt  }
0x80: {  	_ =	shalt  }
0x81: {  	_ =	shalt  }
0x82: {  	_ =	shalt  }
0x83: {  	_ =	shalt  }
0x84: {  	_ =	shalt  }
0x85: {  	_ =	shalt  }
0x86: {  	_ =	shalt  }
0x87: {  	_ =	shalt  }
.Lfunc_end0:
.L_simem_size_0:
called_computation_lowered:
.L_overlay_start_0:
0x88: {  	s2 =	sld [smem:$0x3FD9]  }
0x89: {  	s3 =	sld [smem:$0x3FFE];
	_ =	sdelay $0x1  }
0x8a: {  	s1 =	srdreg.scid  }
0x8b: {  	s0 =	sand.u32 $0x1, s1  }
0x8c: {  	s17 =	sshll.u32 s0, $0xA;
	s2 =	sadd.s32 s3, s2  }
0x8d: {  	s2 =	sadd.s32 s2, s17  }
0x8e: {  	[smem:$0x3FC0] =	sst s2  }
0x8f: {  	_ = 	snop  }
0x90: {  	s2 =	sld [smem:$0x3FD0];
	(tm) =	ssettm $0x1  }
0x91: {  	s18 =	sld [smem:$0x3FFB];
	_ =	sdelay $0x3  }
0x92: {  	_ =	strace s18  }
0x93: {  	s3 =	sld [smem:$0x3FFC];
	_ =	sdelay $0x3  }
0x94: {  	_ =	strace s3  }
0x95: {  	s3 =	sld [smem:$0x3FFD];
	_ =	sdelay $0x3  }
0x96: {  	_ =	strace s3  }
0x97: {  	_ =	strace $0x8FFFFFFF  }
0x98: {  	s19 =	sld [smem:$0x3FDB];
	_ =	sdelay $0x1  }
0x99: {  	s4 =	simm.s32 $_scs_section_size  }
0x9a: {  	s5 =	simm.s32 $_size__tile_overlayer_lowered;
	s6 =	simm.s32 $_tile_overlayer_lowered  }
0x9b: {  	s22 =	simm.s32 $0x1BFF;
	s21 =	sshll.u32 s6, $0x1;
	s3 =	sadd.s32 s4, s19  }
0x9c: {  	s7 =	simm.s32 $0x0;
	s20 =	sshll.u32 s5, $0x1;
	s5 =	sadd.s32 s21, s3  }
0x9d: {  	[timem:s7], [sflag:s22] =	dma.local [hbm:s5], s20  }
0x9e: {  	_ =	swait.ge [sflag:s22], s20  }
0x9f: {  	s4 =	ssub.s32 $0x0, s20;
	[sflag:s22] =	ssyncset.done $0x0  }
0xa0: {  	[sflag:s22] =	ssyncadd.s32 s4;
	_ =	sdelay $0x1  }
0xa1: {  	s23 =	simm.s32 $0x1B8B  }
0xa2: {  	_ =	swait.ge [sflag:s23], $0x1  }
0xa3: {  	[sflag:s23] =	ssyncset.done $0x0  }
0xa4: {  	s25 =	simm.s32 $0x1B8E;
	s24 =	sld [smem:$0x3FFE];
	[sflag:s23] =	ssyncadd.s32 $0xFFFFFFFF  }
0xa5: {  	s26 =	simm.s32 $execute0_lowered;
	[smem:$0x3FD2] =	sst s25  }
0xa6: {  	s5 =	sshll.u32 s26, $0x1;
	_ =	strace $0x80000046;
	[dreg:$0x1] =	wrdreg $0xFFFFFFFF  }
0xa7: {  	s28 =	simm.s32 $_size_execute0_lowered;
	s3 =	sadd.s32 s3, s5;
	[dreg:$0x0] =	wrdreg $0x0  }
0xa8: {  	s5 =	sshll.u32 s28, $0x1;
	[dreg:$0x2] =	wrdreg s3  }
0xa9: {  	[dreg:$0x3] =	wrdreg s5  }
0xaa: {  	[dreg:$0x4] =	wrdreg $0xC0  }
0xab: {  	_ =	task [dreg:s7], $0x5FFFF  }
0xac: {  	[dreg:$0x1] =	wrdreg $0xFFFFFFFF  }
0xad: {  	[dreg:$0x0] =	wrdreg $0x60  }
0xae: {  	[dreg:$0x2] =	wrdreg s24  }
0xaf: {  	[dreg:$0x3] =	wrdreg s2  }
0xb0: {  	[dreg:$0x4] =	wrdreg $0x30000  }
0xb1: {  	[dreg:$0x5] =	wrdreg $0x9  }
0xb2: {  	_ =	task.clear_ibuf [dreg:s7], $0x6FFFF;
	_ =	strace $0x90000046  }
0xb3: {  	s29 =	simm.s32 $0x9;
	_ =	strace $0x80000048  }
0xb4: {  	_ =	swait.ge [sflag:s29], $0x1  }
0xb5: {  	[sflag:s29] =	ssyncadd.s32 $0xFFFFFFFF  }
0xb6: {  	_ =	strace $0x90000048  }
0xb7: {  	_ =	sfence  }
0xb8: {  	s30 =	sld [smem:$0x0];
	_ =	sdelay $0x2  }
0xb9: {  	s31 =	sshll.u32 s1, $0xD;
	s1 =	sshrl.u32 s1, $0x2  }
0xba: {  	s3 =	sand.u32 $0x4000, s31;
	s1 =	sadd.s32 s1, s30  }
0xbb: {  	s0 =	sor.u32 s3, s0;
	s1 =	sshll.u32 s1, $0x11  }
0xbc: {  	s0 =	sor.u32 s1, s0  }
0xbd: {  	s0 =	sadd.s32 $0x8F2B, s0  }
0xbe: {  	[sflag:s0] =	ssyncadd.remote.s32 $0x1  }
0xbf: {  	_ =	sfence.sel $0xFFFF  }
0xc0: {  	[dreg:$0x0] =	wrdreg $0xFFFFFFFF;
	(pc) =	sbr.abs _section_cstart, $3  }
0xc1: {  	[dreg:$0x1] =	wrdreg $0xFFFFFFFF  }
0xc2: {  	_ =	task.clear_ibuf [dreg:s7], $0x2FFFF;
	_ =	strace $0x9FFFFFFF  }
0xc3: {  	(tm) =	ssettm $0x7FFFFFFF  }
tec
execute0_lowered:
.L_overlay_start_1:
0x0: {  	(tag) =	ssettag $0x1  }
0x1: {  	s5 =	rddreg [dreg:$0x0]  }
0x2: {  	s1 =	srdreg.scid;
	s2 =	rddreg [dreg:$0x1]  }
0x3: {  	s0 =	stileid.u32;
	s3 =	rddreg [dreg:$0x2];
	s4 =	simm.s32 $0x0  }
0x4: {  	s13 =	simm.s32 $0x80;
	s14 =	simm.s32 $0x0;
	s6 =	sand.u32 $0x1, s1  }
0x5: {  	s30 =	sshll.u32 s0, $0x1;
	s8 =	smul.u32 $0x2780, s0;
	[smem:$0x7FF] =	sst s4  }
0x6: {  	s31 =	sshll.u32 s0, $0x6;
	s1 =	sor.u32 s6, s30;
	s9 =	smul.u32 $0x27800, s6  }
0x7: {  	s6 =	ssub.s32 $0x2, s6;
	s7 =	smul.u32 $0x500, s1;
	s1 =	rddreg [dreg:$0x3]  }
0x8: {  	_ =	strace $0x80000047;
	s10 =	sshrl.u32 s8, $0x3;
	s11 =	sshrl.u32 s6, $0x1  }
0x9: {  	s12 =	sadd.s32 s8, s3;
	s9 =	sadd.s32 s8, s9;
	s10 =	sadd.s32 s10, s5  }
0xa: {  	s11 =	ssub.s32 s6, s11;
	s12 =	sshrl.u32 s12, $0x3;
	s7 =	sadd.s32 s7, s5  }
0xb: {  	s9 =	sshrl.u32 s9, $0x3;
	s6 =	sadd.s32 $0xB800, s10;
	s8 =	smax.u32 s11, $0x1  }
0xc: {  	s10 =	simm.s32 $0x2800;
	s11 =	sor.u32 $0x1C01, s31;
	s9 =	sadd.s32 s9, s5  }
0xd: {  	s5 =	sadd.s32 $0x1800, s7;
	s7 =	sadd.s32 $0x10800, s9;
	s9 =	simm.s32 $0x1  }
.LBB2_1:
0xe: {  	[tilespmem:s4], [sflag:$0x1] =	stream.linear.gather [hbm4b:s5+s4], $0x2800, $0x38;
	[tilespmem:$0x5780] =	vst v63  }
0xf: {  	_ =	swait.ge [sflag:s9], $0x2800  }
0x10: {  	[sflag:s9] =	ssyncset.done $0x0  }
0x11: {  	[sflag:s9] =	ssyncadd.s32 $0xFFFFD800  }
0x12: {  	[tilespmem:s10], [sflag:$0x1] =	stream.linear.gather [hbm4b:s2+s4], $0x800, $0x38;
	[tilespmem:$0x5780] =	vst v63  }
0x13: {  	_ =	swait.ge [sflag:s9], $0x800  }
0x14: {  	[sflag:s9] =	ssyncset.done $0x0  }
0x15: {  	[sflag:s9] =	ssyncadd.s32 $0xFFFFF800  }
0x16: {  	[spmem:s12], [sflag:s11] =	dma.local [hbm:s6], $0x4F0  }
0x17: {  	_ =	swait.ge [sflag:s9], $0x4F0  }
0x18: {  	[sflag:s9] =	ssyncset.done $0x0  }
0x19: {  	[sflag:s9] =	ssyncadd.s32 $0xFFFFFB10  }
0x1a: {  	s15 =	simm.s32 $0x0;
	[bflag:$0x0] =	sbarrier.arrive $0xFFFF  }
0x1b: {  	[spmem:s3] =	stream.indirect.scatter.add.f32 [tilespmem:s10], [sflag:$0x1], $0x10, s15, s13, $0xb8;
	[tilespmem:$0x5780] =	vst v63  }
0x1c: {  	_ =	swait.ge [sflag:s9], $0x800  }
0x1d: {  	s15 =	simm.s32 $0x200;
	[sflag:s9] =	ssyncset.done $0x0  }
.LBB2_2:
0x1e: {  	s16 =	sshra.s32 s15, $0x2;
	[sflag:s9] =	ssyncadd.s32 $0xFFFFF800;
	p0 =	sne.s32 s15, $0x9E00  }
0x1f: {  	[spmem:s3] =	stream.indirect.scatter.add.f32 [tilespmem:s10], [sflag:$0x1], $0x10, s16, s13, $0xb8;
	[tilespmem:$0x5780] =	vst v63  }
.Ltmp0:
0x20: {  	_ = 	snop;
	(pc) =	sbr.rel @p0 .LBB2_2-.Ltmp0, $4  }
0x21: {  	_ = 	snop  }
0x22: {  	s15 =	sadd.s32 $0x200, s15  }
0x23: {  	_ =	swait.ge [sflag:s9], $0x800  }
0x24: {  	[sflag:s9] =	ssyncset.done $0x0  }
0x25: {  	s14 =	sadd.s32 $0x1, s14  }
0x26: {  	[sflag:s9] =	ssyncadd.s32 $0xFFFFF800;
	p0 =	sne.s32 s14, s8  }
.Ltmp1:
0x27: {  	[bflag:$0x0] =	sbarrier.arrive $0xFFFF;
	(pc) =	sbr.rel @p0 .LBB2_1-.Ltmp1, $4  }
0x28: {  	[hbm:s7], [sflag:s11] =	dma.local [spmem:s12], $0x4F0  }
0x29: {  	_ =	swait.ge [sflag:s9], $0x4F0  }
0x2a: {  	[sflag:s9] =	ssyncset.done $0x0  }
0x2b: {  	[sflag:s9] =	ssyncadd.s32 $0xFFFFFB10  }
0x2c: {  	_ =	sfence.sel $0x180000  }
0x2d: {  	[bflag:$0x0] =	sbarrier.arrive $0xFFFF  }
0x2e: {  	p0 =	sne.s32 s0, $0x0;
	_ =	strace $0x90000047  }
0x2f: {  	s0 =	sadd.s32 @!p0 $0x100000, s1;
	[bflag:$0x2] =	sbarrier.arrive $0xFFFF  }
0x30: {  	[sflag:s0] =	ssyncadd.tile.s32 @!p0 $0x1;
	_ =	shalt  }
.Lfunc_end2:
_tile_overlayer_lowered:
.L_overlay_start_2:
0x31: {  	(tag) =	ssettag $0x2  }
0x32: {  	s0 =	rddreg [dreg:$0x0];
	s2 =	stileid.u32  }
0x33: {  	s1 =	rddreg [dreg:$0x1];
	p0 =	sne.s32 s2, $0x0  }
0x34: {  	s3 =	rddreg [dreg:$0x2];
	[bflag:$0x3] =	sbarrier.arrive $0xFFFF;
	s2 =	simm.s32 @!p0 $0x1C01  }
0x35: {  	[timem:s3], [sflag:s2] =	dma.local @!p0 [hbm:s0], s1  }
0x36: {  	s0 =	simm.s32 @!p0 $0x1  }
0x37: {  	_ =	swait.ge @!p0 [sflag:s0], s1  }
0x38: {  	s1 =	ssub.s32 @!p0 $0x0, s1;
	[sflag:s0] =	ssyncset.done @!p0 $0x0  }
0x39: {  	[sflag:s0] =	ssyncadd.s32 @!p0 s1  }
0x3a: {  	[bflag:$0x3] =	sbarrier.arrive $0xFFFF  }
0x3b: {  	_ =	shalt  }

</sc_bundles>
